<compile_context>
chip_gen: v7x
topology: tpu7x:2x2x1
jax: 0.10.2.dev20260603
libtpu: 0.0.44.dev20260713+nightly
codegen_flags: <defaults>
</compile_context>

<pallas_src>
import functools

import jax
import jax.numpy as jnp
from jax import lax
from jax.experimental import pallas as pl
from jax.experimental.pallas import tpu as pltpu
from jax.experimental.pallas import tpu_sc as plsc

NC = 2
NS = 16
NW = NC * NS
CHUNK = 3000


def _round_up(n, m):
    return (n + m - 1) // m * m


@functools.lru_cache(maxsize=None)
def _build(b_pad, dim):
    n_w = b_pad // NW
    mesh = plsc.VectorSubcoreMesh(
        core_axis_name="c", subcore_axis_name="s", num_cores=NC, num_subcores=NS
    )

    @functools.partial(
        pl.kernel,
        mesh=mesh,
        compiler_params=pltpu.CompilerParams(use_tc_tiling_on_sc=False),
        out_type=jax.ShapeDtypeStruct((b_pad, dim), jnp.float32),
        scratch_types=[
            pltpu.VMEM((CHUNK,), jnp.int32),
            pltpu.VMEM((CHUNK, dim), jnp.float32),
            pltpu.SemaphoreType.DMA,
        ],
    )
    def emb_kernel(idx_hbm, tab_hbm, out_hbm, idx_v, rows_v, sem):
        wid = lax.axis_index("s") * NC + lax.axis_index("c")

        def do_chunk(off, size):
            pltpu.sync_copy(idx_hbm.at[pl.ds(off, size)], idx_v.at[pl.ds(0, size)])
            pltpu.async_copy(
                tab_hbm.at[idx_v.at[pl.ds(0, size)]],
                rows_v.at[pl.ds(0, size)],
                sem,
            ).wait()
            pltpu.sync_copy(rows_v.at[pl.ds(0, size)], out_hbm.at[pl.ds(off, size)])

        base = wid * n_w
        k_full = n_w // CHUNK
        rem = n_w % CHUNK
        if k_full:
            @pl.loop(0, k_full)
            def _(i):
                off = pl.multiple_of(base + i * CHUNK, 8)
                do_chunk(off, CHUNK)
        if rem:
            off = pl.multiple_of(base + k_full * CHUNK, 8)
            do_chunk(off, rem)

    return emb_kernel


def _lookup(idx, table):
    b = idx.shape[0]
    dim = table.shape[1]
    b_pad = _round_up(b, NW * 8)
    idx_i = jnp.pad(idx.astype(jnp.int32), (0, b_pad - b))
    out = _build(b_pad, dim)(idx_i, table)
    return out[:b]


def kernel(x, edge_attr, node_table, edge_table):
    return (_lookup(x, node_table), _lookup(edge_attr, edge_table))

# --- scband reference (transcript-rebuilt; emitter-appended) ---
"""Pipeline reference for scband-embedding-71665824301247 (READ-ONLY COPY).

The authoritative reference and input builder live on the scoring server;
editing this copy changes nothing except your own understanding.
"""

import jax, jax.numpy as jnp
import numpy as np

N_NODES = 100000
N_EDGES = 1600000
VOCAB = 1000000
DIM = 32


def setup_inputs(seed: int = 0) -> dict:
    key = jax.random.key(seed)
    k1, k2, k3, k4 = jax.random.split(key, 4)
    x = jax.random.randint(k1, (N_NODES,), 0, VOCAB)
    edge_attr = jax.random.randint(k2, (N_EDGES,), 0, VOCAB)
    # learned parameters: two embedding tables (node_features==1 and edge_features==1 branch,
    # so each is a single nn.Embedding(int(max)+1, dim) == [1000000, 32])
    node_table = jax.random.normal(k3, (VOCAB, DIM), dtype=jnp.float32) * 0.02
    edge_table = jax.random.normal(k4, (VOCAB, DIM), dtype=jnp.float32) * 0.02
    return {"x": x, "edge_attr": edge_attr, "node_table": node_table, "edge_table": edge_table}


def reference(x, edge_attr, node_table, edge_table):
    # method == 'cat' with node_features == 1 and edge_features == 1:
    # forward reduces to plain embedding lookups (x.squeeze() is a no-op on 1-D indices),
    # and the norm layers are not applied on this path.
    x_emb = jnp.take(node_table, x, axis=0)
    e_emb = jnp.take(edge_table, edge_attr, axis=0)
    return (x_emb, e_emb)

if __name__ == "__main__":
    import jax
    _d = setup_inputs()
    print(jax.jit(kernel)(*tuple(_d.values())))

</pallas_src>

<mosaic_0001>
#map = affine_map<(d0, d1) -> (0)>
#map1 = affine_map<(d0, d1) -> (0, 0)>
module attributes {stable_mosaic.version = 14 : i64} {
  func.func @emb_kernel(%arg0: i32, %arg1: i32, %arg2: memref<100096xi32, #tpu.memory_space<hbm>>, %arg3: memref<1000000x32xf32, #tpu.memory_space<hbm>>, %arg4: memref<100096x32xf32, #tpu.memory_space<hbm>>, %arg5: memref<3000xi32, #tpu.memory_space<vmem>>, %arg6: memref<3000x32xf32, #tpu.memory_space<vmem>>, %arg7: memref<!tpu.dma_semaphore, #tpu.memory_space<semaphore_mem>>) attributes {dimension_semantics = [#tpu.dimension_semantics<core_parallel>, #tpu.dimension_semantics<subcore_parallel>], iteration_bounds = array<i64: 2, 16>, scalar_prefetch = 0 : i64, scratch_operands = 3 : i64, tpu.core_type = #tpu.core_type<sc_vector_subcore>, window_params = [{transform_indices = #map}, {transform_indices = #map1}, {transform_indices = #map1}]} {
    %mul3A = arith.constant 2 : i32
    %mul3A_0 = arith.muli %arg1, %mul3A : i32
    %add3A = arith.addi %mul3A_0, %arg0 : i32
    %mul3A_1 = arith.constant 3128 : i32
    %mul3A_2 = arith.muli %add3A, %mul3A_1 : i32
    %scan3A = arith.constant 0 : i32
    %mul3A_3 = arith.constant 1 : i32
    %mul3A_4 = arith.muli %scan3A, %mul3A_3 : i32
    %add3A_5 = arith.constant 0 : i32
    %add3A_6 = arith.addi %add3A_5, %mul3A_4 : i32
    %mul3A_7 = arith.constant 3000 : i32
    %mul3A_8 = arith.muli %add3A_6, %mul3A_7 : i32
    %add3A_9 = arith.addi %mul3A_2, %mul3A_8 : i32
    %multiple_of3A = tpu.assume_multiple %add3A_9, 8 : i32
    "tpu.region"() ({
      %run_scoped3A = tpu.sem_alloc : memref<!tpu.dma_semaphore, #tpu.memory_space<semaphore_mem>>
      %dma_start3A_44 = arith.constant 0 : i32
      %dma_start3A_45 = tpu.memref_slice %arg5[%dma_start3A_44] : memref<3000xi32, #tpu.memory_space<vmem>> -> memref<3000xi32, #tpu.memory_space<vmem>>
      %dma_start3A_46 = tpu.memref_slice %arg2[%multiple_of3A] : memref<100096xi32, #tpu.memory_space<hbm>> -> memref<3000xi32, #tpu.memory_space<hbm>>
      %dma_start3A_47 = arith.constant 0 : i32
      %dma_start3A_48 = tpu.memref_slice %arg5[%dma_start3A_47] : memref<3000xi32, #tpu.memory_space<vmem>> -> memref<3000xi32, #tpu.memory_space<vmem>>
      %dma_start3A_49 = tpu.memref_slice %arg2[%multiple_of3A] : memref<100096xi32, #tpu.memory_space<hbm>> -> memref<3000xi32, #tpu.memory_space<hbm>>
      tpu.enqueue_dma source(%dma_start3A_49 : memref<3000xi32, #tpu.memory_space<hbm>>) target(%dma_start3A_48 : memref<3000xi32, #tpu.memory_space<vmem>>) target_semaphore(%run_scoped3A : memref<!tpu.dma_semaphore, #tpu.memory_space<semaphore_mem>>)
      %dma_wait3A_50 = arith.constant 0 : i32
      %dma_wait3A_51 = tpu.memref_slice %arg5[%dma_wait3A_50] : memref<3000xi32, #tpu.memory_space<vmem>> -> memref<3000xi32, #tpu.memory_space<vmem>>
      %dma_wait3A_52 = tpu.memref_slice %arg2[%multiple_of3A] : memref<100096xi32, #tpu.memory_space<hbm>> -> memref<3000xi32, #tpu.memory_space<hbm>>
      %dma_wait3A_53 = arith.constant 0 : i32
      %dma_wait3A_54 = tpu.memref_slice %arg5[%dma_wait3A_53] : memref<3000xi32, #tpu.memory_space<vmem>> -> memref<3000xi32, #tpu.memory_space<vmem>>
      %dma_wait3A_55 = tpu.memref_slice %arg2[%multiple_of3A] : memref<100096xi32, #tpu.memory_space<hbm>> -> memref<3000xi32, #tpu.memory_space<hbm>>
      tpu.wait_dma2 semaphore(%run_scoped3A : memref<!tpu.dma_semaphore, #tpu.memory_space<semaphore_mem>>) src(%dma_wait3A_55 : memref<3000xi32, #tpu.memory_space<hbm>>) dst(%dma_wait3A_54 : memref<3000xi32, #tpu.memory_space<vmem>>)
      tpu.yield
    }) : () -> ()
    %dma_start3A = arith.constant 0 : i32
    %dma_start3A_10 = arith.constant 0 : i32
    %dma_start3A_11 = tpu.memref_slice %arg6[%dma_start3A, %dma_start3A_10] : memref<3000x32xf32, #tpu.memory_space<vmem>> -> memref<3000x32xf32, #tpu.memory_space<vmem>>
    %dma_start3A_12 = arith.constant 0 : i32
    %dma_start3A_13 = tpu.memref_slice %arg5[%dma_start3A_12] : memref<3000xi32, #tpu.memory_space<vmem>> -> memref<3000xi32, #tpu.memory_space<vmem>>
    %dma_start3A_14 = arith.constant 0 : i32
    %dma_start3A_15 = arith.constant 0 : i32
    %dma_start3A_16 = tpu.memref_slice %arg3[%dma_start3A_14, %dma_start3A_15] : memref<1000000x32xf32, #tpu.memory_space<hbm>> -> memref<1000000x32xf32, #tpu.memory_space<hbm>>
    tpu.enqueue_indirect_dma source(%dma_start3A_16 : memref<1000000x32xf32, #tpu.memory_space<hbm>>) target(%dma_start3A_11 : memref<3000x32xf32, #tpu.memory_space<vmem>>) offsets(%dma_start3A_13 : memref<3000xi32, #tpu.memory_space<vmem>>) semaphore(%arg7 : memref<!tpu.dma_semaphore, #tpu.memory_space<semaphore_mem>>)
    %dma_wait3A = arith.constant 0 : i32
    %dma_wait3A_17 = arith.constant 0 : i32
    %dma_wait3A_18 = tpu.memref_slice %arg6[%dma_wait3A, %dma_wait3A_17] : memref<3000x32xf32, #tpu.memory_space<vmem>> -> memref<3000x32xf32, #tpu.memory_space<vmem>>
    %dma_wait3A_19 = arith.constant 0 : i32
    %dma_wait3A_20 = tpu.memref_slice %arg5[%dma_wait3A_19] : memref<3000xi32, #tpu.memory_space<vmem>> -> memref<3000xi32, #tpu.memory_space<vmem>>
    %dma_wait3A_21 = arith.constant 0 : i32
    %dma_wait3A_22 = arith.constant 0 : i32
    %dma_wait3A_23 = tpu.memref_slice %arg3[%dma_wait3A_21, %dma_wait3A_22] : memref<1000000x32xf32, #tpu.memory_space<hbm>> -> memref<1000000x32xf32, #tpu.memory_space<hbm>>
    tpu.wait_indirect_dma semaphore(%arg7 : memref<!tpu.dma_semaphore, #tpu.memory_space<semaphore_mem>>) src(%dma_wait3A_23 : memref<1000000x32xf32, #tpu.memory_space<hbm>>) dst(%dma_wait3A_18 : memref<3000x32xf32, #tpu.memory_space<vmem>>)
    "tpu.region"() ({
      %run_scoped3A = tpu.sem_alloc : memref<!tpu.dma_semaphore, #tpu.memory_space<semaphore_mem>>
      %dma_start3A_44 = arith.constant 0 : i32
      %dma_start3A_45 = arith.constant 0 : i32
      %dma_start3A_46 = tpu.memref_slice %arg6[%dma_start3A_44, %dma_start3A_45] : memref<3000x32xf32, #tpu.memory_space<vmem>> -> memref<3000x32xf32, #tpu.memory_space<vmem>>
      %dma_start3A_47 = arith.constant 0 : i32
      %dma_start3A_48 = tpu.memref_slice %arg4[%multiple_of3A, %dma_start3A_47] : memref<100096x32xf32, #tpu.memory_space<hbm>> -> memref<3000x32xf32, #tpu.memory_space<hbm>>
      %dma_start3A_49 = arith.constant 0 : i32
      %dma_start3A_50 = tpu.memref_slice %arg4[%multiple_of3A, %dma_start3A_49] : memref<100096x32xf32, #tpu.memory_space<hbm>> -> memref<3000x32xf32, #tpu.memory_space<hbm>>
      %dma_start3A_51 = arith.constant 0 : i32
      %dma_start3A_52 = arith.constant 0 : i32
      %dma_start3A_53 = tpu.memref_slice %arg6[%dma_start3A_51, %dma_start3A_52] : memref<3000x32xf32, #tpu.memory_space<vmem>> -> memref<3000x32xf32, #tpu.memory_space<vmem>>
      tpu.enqueue_dma source(%dma_start3A_53 : memref<3000x32xf32, #tpu.memory_space<vmem>>) target(%dma_start3A_50 : memref<3000x32xf32, #tpu.memory_space<hbm>>) target_semaphore(%run_scoped3A : memref<!tpu.dma_semaphore, #tpu.memory_space<semaphore_mem>>)
      %dma_wait3A_54 = arith.constant 0 : i32
      %dma_wait3A_55 = arith.constant 0 : i32
      %dma_wait3A_56 = tpu.memref_slice %arg6[%dma_wait3A_54, %dma_wait3A_55] : memref<3000x32xf32, #tpu.memory_space<vmem>> -> memref<3000x32xf32, #tpu.memory_space<vmem>>
      %dma_wait3A_57 = arith.constant 0 : i32
      %dma_wait3A_58 = tpu.memref_slice %arg4[%multiple_of3A, %dma_wait3A_57] : memref<100096x32xf32, #tpu.memory_space<hbm>> -> memref<3000x32xf32, #tpu.memory_space<hbm>>
      %dma_wait3A_59 = arith.constant 0 : i32
      %dma_wait3A_60 = tpu.memref_slice %arg4[%multiple_of3A, %dma_wait3A_59] : memref<100096x32xf32, #tpu.memory_space<hbm>> -> memref<3000x32xf32, #tpu.memory_space<hbm>>
      %dma_wait3A_61 = arith.constant 0 : i32
      %dma_wait3A_62 = arith.constant 0 : i32
      %dma_wait3A_63 = tpu.memref_slice %arg6[%dma_wait3A_61, %dma_wait3A_62] : memref<3000x32xf32, #tpu.memory_space<vmem>> -> memref<3000x32xf32, #tpu.memory_space<vmem>>
      tpu.wait_dma2 semaphore(%run_scoped3A : memref<!tpu.dma_semaphore, #tpu.memory_space<semaphore_mem>>) src(%dma_wait3A_63 : memref<3000x32xf32, #tpu.memory_space<vmem>>) dst(%dma_wait3A_60 : memref<3000x32xf32, #tpu.memory_space<hbm>>)
      tpu.yield
    }) : () -> ()
    %scan3A_24 = arith.constant 1 : i32
    %add3A_25 = arith.constant 3000 : i32
    %add3A_26 = arith.addi %mul3A_2, %add3A_25 : i32
    %multiple_of3A_27 = tpu.assume_multiple %add3A_26, 8 : i32
    "tpu.region"() ({
      %run_scoped3A = tpu.sem_alloc : memref<!tpu.dma_semaphore, #tpu.memory_space<semaphore_mem>>
      %dma_start3A_44 = arith.constant 0 : i32
      %dma_start3A_45 = tpu.memref_slice %arg5[%dma_start3A_44] : memref<3000xi32, #tpu.memory_space<vmem>> -> memref<128xi32, #tpu.memory_space<vmem>>
      %dma_start3A_46 = tpu.memref_slice %arg2[%multiple_of3A_27] : memref<100096xi32, #tpu.memory_space<hbm>> -> memref<128xi32, #tpu.memory_space<hbm>>
      %dma_start3A_47 = arith.constant 0 : i32
      %dma_start3A_48 = tpu.memref_slice %arg5[%dma_start3A_47] : memref<3000xi32, #tpu.memory_space<vmem>> -> memref<128xi32, #tpu.memory_space<vmem>>
      %dma_start3A_49 = tpu.memref_slice %arg2[%multiple_of3A_27] : memref<100096xi32, #tpu.memory_space<hbm>> -> memref<128xi32, #tpu.memory_space<hbm>>
      tpu.enqueue_dma source(%dma_start3A_49 : memref<128xi32, #tpu.memory_space<hbm>>) target(%dma_start3A_48 : memref<128xi32, #tpu.memory_space<vmem>>) target_semaphore(%run_scoped3A : memref<!tpu.dma_semaphore, #tpu.memory_space<semaphore_mem>>)
      %dma_wait3A_50 = arith.constant 0 : i32
      %dma_wait3A_51 = tpu.memref_slice %arg5[%dma_wait3A_50] : memref<3000xi32, #tpu.memory_space<vmem>> -> memref<128xi32, #tpu.memory_space<vmem>>
      %dma_wait3A_52 = tpu.memref_slice %arg2[%multiple_of3A_27] : memref<100096xi32, #tpu.memory_space<hbm>> -> memref<128xi32, #tpu.memory_space<hbm>>
      %dma_wait3A_53 = arith.constant 0 : i32
      %dma_wait3A_54 = tpu.memref_slice %arg5[%dma_wait3A_53] : memref<3000xi32, #tpu.memory_space<vmem>> -> memref<128xi32, #tpu.memory_space<vmem>>
      %dma_wait3A_55 = tpu.memref_slice %arg2[%multiple_of3A_27] : memref<100096xi32, #tpu.memory_space<hbm>> -> memref<128xi32, #tpu.memory_space<hbm>>
      tpu.wait_dma2 semaphore(%run_scoped3A : memref<!tpu.dma_semaphore, #tpu.memory_space<semaphore_mem>>) src(%dma_wait3A_55 : memref<128xi32, #tpu.memory_space<hbm>>) dst(%dma_wait3A_54 : memref<128xi32, #tpu.memory_space<vmem>>)
      tpu.yield
    }) : () -> ()
    %dma_start3A_28 = arith.constant 0 : i32
    %dma_start3A_29 = arith.constant 0 : i32
    %dma_start3A_30 = tpu.memref_slice %arg6[%dma_start3A_28, %dma_start3A_29] : memref<3000x32xf32, #tpu.memory_space<vmem>> -> memref<128x32xf32, #tpu.memory_space<vmem>>
    %dma_start3A_31 = arith.constant 0 : i32
    %dma_start3A_32 = tpu.memref_slice %arg5[%dma_start3A_31] : memref<3000xi32, #tpu.memory_space<vmem>> -> memref<128xi32, #tpu.memory_space<vmem>>
    %dma_start3A_33 = arith.constant 0 : i32
    %dma_start3A_34 = arith.constant 0 : i32
    %dma_start3A_35 = tpu.memref_slice %arg3[%dma_start3A_33, %dma_start3A_34] : memref<1000000x32xf32, #tpu.memory_space<hbm>> -> memref<1000000x32xf32, #tpu.memory_space<hbm>>
    tpu.enqueue_indirect_dma source(%dma_start3A_35 : memref<1000000x32xf32, #tpu.memory_space<hbm>>) target(%dma_start3A_30 : memref<128x32xf32, #tpu.memory_space<vmem>>) offsets(%dma_start3A_32 : memref<128xi32, #tpu.memory_space<vmem>>) semaphore(%arg7 : memref<!tpu.dma_semaphore, #tpu.memory_space<semaphore_mem>>)
    %dma_wait3A_36 = arith.constant 0 : i32
    %dma_wait3A_37 = arith.constant 0 : i32
    %dma_wait3A_38 = tpu.memref_slice %arg6[%dma_wait3A_36, %dma_wait3A_37] : memref<3000x32xf32, #tpu.memory_space<vmem>> -> memref<128x32xf32, #tpu.memory_space<vmem>>
    %dma_wait3A_39 = arith.constant 0 : i32
    %dma_wait3A_40 = tpu.memref_slice %arg5[%dma_wait3A_39] : memref<3000xi32, #tpu.memory_space<vmem>> -> memref<128xi32, #tpu.memory_space<vmem>>
    %dma_wait3A_41 = arith.constant 0 : i32
    %dma_wait3A_42 = arith.constant 0 : i32
    %dma_wait3A_43 = tpu.memref_slice %arg3[%dma_wait3A_41, %dma_wait3A_42] : memref<1000000x32xf32, #tpu.memory_space<hbm>> -> memref<1000000x32xf32, #tpu.memory_space<hbm>>
    tpu.wait_indirect_dma semaphore(%arg7 : memref<!tpu.dma_semaphore, #tpu.memory_space<semaphore_mem>>) src(%dma_wait3A_43 : memref<1000000x32xf32, #tpu.memory_space<hbm>>) dst(%dma_wait3A_38 : memref<128x32xf32, #tpu.memory_space<vmem>>)
    "tpu.region"() ({
      %run_scoped3A = tpu.sem_alloc : memref<!tpu.dma_semaphore, #tpu.memory_space<semaphore_mem>>
      %dma_start3A_44 = arith.constant 0 : i32
      %dma_start3A_45 = arith.constant 0 : i32
      %dma_start3A_46 = tpu.memref_slice %arg6[%dma_start3A_44, %dma_start3A_45] : memref<3000x32xf32, #tpu.memory_space<vmem>> -> memref<128x32xf32, #tpu.memory_space<vmem>>
      %dma_start3A_47 = arith.constant 0 : i32
      %dma_start3A_48 = tpu.memref_slice %arg4[%multiple_of3A_27, %dma_start3A_47] : memref<100096x32xf32, #tpu.memory_space<hbm>> -> memref<128x32xf32, #tpu.memory_space<hbm>>
      %dma_start3A_49 = arith.constant 0 : i32
      %dma_start3A_50 = tpu.memref_slice %arg4[%multiple_of3A_27, %dma_start3A_49] : memref<100096x32xf32, #tpu.memory_space<hbm>> -> memref<128x32xf32, #tpu.memory_space<hbm>>
      %dma_start3A_51 = arith.constant 0 : i32
      %dma_start3A_52 = arith.constant 0 : i32
      %dma_start3A_53 = tpu.memref_slice %arg6[%dma_start3A_51, %dma_start3A_52] : memref<3000x32xf32, #tpu.memory_space<vmem>> -> memref<128x32xf32, #tpu.memory_space<vmem>>
      tpu.enqueue_dma source(%dma_start3A_53 : memref<128x32xf32, #tpu.memory_space<vmem>>) target(%dma_start3A_50 : memref<128x32xf32, #tpu.memory_space<hbm>>) target_semaphore(%run_scoped3A : memref<!tpu.dma_semaphore, #tpu.memory_space<semaphore_mem>>)
      %dma_wait3A_54 = arith.constant 0 : i32
      %dma_wait3A_55 = arith.constant 0 : i32
      %dma_wait3A_56 = tpu.memref_slice %arg6[%dma_wait3A_54, %dma_wait3A_55] : memref<3000x32xf32, #tpu.memory_space<vmem>> -> memref<128x32xf32, #tpu.memory_space<vmem>>
      %dma_wait3A_57 = arith.constant 0 : i32
      %dma_wait3A_58 = tpu.memref_slice %arg4[%multiple_of3A_27, %dma_wait3A_57] : memref<100096x32xf32, #tpu.memory_space<hbm>> -> memref<128x32xf32, #tpu.memory_space<hbm>>
      %dma_wait3A_59 = arith.constant 0 : i32
      %dma_wait3A_60 = tpu.memref_slice %arg4[%multiple_of3A_27, %dma_wait3A_59] : memref<100096x32xf32, #tpu.memory_space<hbm>> -> memref<128x32xf32, #tpu.memory_space<hbm>>
      %dma_wait3A_61 = arith.constant 0 : i32
      %dma_wait3A_62 = arith.constant 0 : i32
      %dma_wait3A_63 = tpu.memref_slice %arg6[%dma_wait3A_61, %dma_wait3A_62] : memref<3000x32xf32, #tpu.memory_space<vmem>> -> memref<128x32xf32, #tpu.memory_space<vmem>>
      tpu.wait_dma2 semaphore(%run_scoped3A : memref<!tpu.dma_semaphore, #tpu.memory_space<semaphore_mem>>) src(%dma_wait3A_63 : memref<128x32xf32, #tpu.memory_space<vmem>>) dst(%dma_wait3A_60 : memref<128x32xf32, #tpu.memory_space<hbm>>)
      tpu.yield
    }) : () -> ()
    return
  }
}

#map = affine_map<(d0, d1) -> (0)>
#map1 = affine_map<(d0, d1) -> (0, 0)>
module attributes {stable_mosaic.version = 14 : i64} {
  func.func @emb_kernel(%arg0: i32, %arg1: i32, %arg2: memref<1600000xi32, #tpu.memory_space<hbm>>, %arg3: memref<1000000x32xf32, #tpu.memory_space<hbm>>, %arg4: memref<1600000x32xf32, #tpu.memory_space<hbm>>, %arg5: memref<3000xi32, #tpu.memory_space<vmem>>, %arg6: memref<3000x32xf32, #tpu.memory_space<vmem>>, %arg7: memref<!tpu.dma_semaphore, #tpu.memory_space<semaphore_mem>>) attributes {dimension_semantics = [#tpu.dimension_semantics<core_parallel>, #tpu.dimension_semantics<subcore_parallel>], iteration_bounds = array<i64: 2, 16>, scalar_prefetch = 0 : i64, scratch_operands = 3 : i64, tpu.core_type = #tpu.core_type<sc_vector_subcore>, window_params = [{transform_indices = #map}, {transform_indices = #map1}, {transform_indices = #map1}]} {
    %mul3A = arith.constant 2 : i32
    %mul3A_0 = arith.muli %arg1, %mul3A : i32
    %add3A = arith.addi %mul3A_0, %arg0 : i32
    %mul3A_1 = arith.constant 50000 : i32
    %mul3A_2 = arith.muli %add3A, %mul3A_1 : i32
    %scan3A = arith.constant 0 : i32
    %scan3A_3 = arith.constant 16 : i32
    %scan3A_4 = arith.addi %scan3A, %scan3A_3 : i32
    %scan3A_5 = arith.constant 1 : i32
    scf.for %scan3A_23 = %scan3A to %scan3A_4 step %scan3A_5  : i32 {
      %mul3A_24 = arith.constant 1 : i32
      %mul3A_25 = arith.muli %scan3A_23, %mul3A_24 : i32
      %add3A_26 = arith.constant 0 : i32
      %add3A_27 = arith.addi %add3A_26, %mul3A_25 : i32
      %mul3A_28 = arith.constant 3000 : i32
      %mul3A_29 = arith.muli %add3A_27, %mul3A_28 : i32
      %add3A_30 = arith.addi %mul3A_2, %mul3A_29 : i32
      %multiple_of3A_31 = tpu.assume_multiple %add3A_30, 8 : i32
      "tpu.region"() ({
        %run_scoped3A = tpu.sem_alloc : memref<!tpu.dma_semaphore, #tpu.memory_space<semaphore_mem>>
        %dma_start3A_48 = arith.constant 0 : i32
        %dma_start3A_49 = tpu.memref_slice %arg5[%dma_start3A_48] : memref<3000xi32, #tpu.memory_space<vmem>> -> memref<3000xi32, #tpu.memory_space<vmem>>
        %dma_start3A_50 = tpu.memref_slice %arg2[%multiple_of3A_31] : memref<1600000xi32, #tpu.memory_space<hbm>> -> memref<3000xi32, #tpu.memory_space<hbm>>
        %dma_start3A_51 = arith.constant 0 : i32
        %dma_start3A_52 = tpu.memref_slice %arg5[%dma_start3A_51] : memref<3000xi32, #tpu.memory_space<vmem>> -> memref<3000xi32, #tpu.memory_space<vmem>>
        %dma_start3A_53 = tpu.memref_slice %arg2[%multiple_of3A_31] : memref<1600000xi32, #tpu.memory_space<hbm>> -> memref<3000xi32, #tpu.memory_space<hbm>>
        tpu.enqueue_dma source(%dma_start3A_53 : memref<3000xi32, #tpu.memory_space<hbm>>) target(%dma_start3A_52 : memref<3000xi32, #tpu.memory_space<vmem>>) target_semaphore(%run_scoped3A : memref<!tpu.dma_semaphore, #tpu.memory_space<semaphore_mem>>)
        %dma_wait3A_54 = arith.constant 0 : i32
        %dma_wait3A_55 = tpu.memref_slice %arg5[%dma_wait3A_54] : memref<3000xi32, #tpu.memory_space<vmem>> -> memref<3000xi32, #tpu.memory_space<vmem>>
        %dma_wait3A_56 = tpu.memref_slice %arg2[%multiple_of3A_31] : memref<1600000xi32, #tpu.memory_space<hbm>> -> memref<3000xi32, #tpu.memory_space<hbm>>
        %dma_wait3A_57 = arith.constant 0 : i32
        %dma_wait3A_58 = tpu.memref_slice %arg5[%dma_wait3A_57] : memref<3000xi32, #tpu.memory_space<vmem>> -> memref<3000xi32, #tpu.memory_space<vmem>>
        %dma_wait3A_59 = tpu.memref_slice %arg2[%multiple_of3A_31] : memref<1600000xi32, #tpu.memory_space<hbm>> -> memref<3000xi32, #tpu.memory_space<hbm>>
        tpu.wait_dma2 semaphore(%run_scoped3A : memref<!tpu.dma_semaphore, #tpu.memory_space<semaphore_mem>>) src(%dma_wait3A_59 : memref<3000xi32, #tpu.memory_space<hbm>>) dst(%dma_wait3A_58 : memref<3000xi32, #tpu.memory_space<vmem>>)
        tpu.yield
      }) : () -> ()
      %dma_start3A_32 = arith.constant 0 : i32
      %dma_start3A_33 = arith.constant 0 : i32
      %dma_start3A_34 = tpu.memref_slice %arg6[%dma_start3A_32, %dma_start3A_33] : memref<3000x32xf32, #tpu.memory_space<vmem>> -> memref<3000x32xf32, #tpu.memory_space<vmem>>
      %dma_start3A_35 = arith.constant 0 : i32
      %dma_start3A_36 = tpu.memref_slice %arg5[%dma_start3A_35] : memref<3000xi32, #tpu.memory_space<vmem>> -> memref<3000xi32, #tpu.memory_space<vmem>>
      %dma_start3A_37 = arith.constant 0 : i32
      %dma_start3A_38 = arith.constant 0 : i32
      %dma_start3A_39 = tpu.memref_slice %arg3[%dma_start3A_37, %dma_start3A_38] : memref<1000000x32xf32, #tpu.memory_space<hbm>> -> memref<1000000x32xf32, #tpu.memory_space<hbm>>
      tpu.enqueue_indirect_dma source(%dma_start3A_39 : memref<1000000x32xf32, #tpu.memory_space<hbm>>) target(%dma_start3A_34 : memref<3000x32xf32, #tpu.memory_space<vmem>>) offsets(%dma_start3A_36 : memref<3000xi32, #tpu.memory_space<vmem>>) semaphore(%arg7 : memref<!tpu.dma_semaphore, #tpu.memory_space<semaphore_mem>>)
      %dma_wait3A_40 = arith.constant 0 : i32
      %dma_wait3A_41 = arith.constant 0 : i32
      %dma_wait3A_42 = tpu.memref_slice %arg6[%dma_wait3A_40, %dma_wait3A_41] : memref<3000x32xf32, #tpu.memory_space<vmem>> -> memref<3000x32xf32, #tpu.memory_space<vmem>>
      %dma_wait3A_43 = arith.constant 0 : i32
      %dma_wait3A_44 = tpu.memref_slice %arg5[%dma_wait3A_43] : memref<3000xi32, #tpu.memory_space<vmem>> -> memref<3000xi32, #tpu.memory_space<vmem>>
      %dma_wait3A_45 = arith.constant 0 : i32
      %dma_wait3A_46 = arith.constant 0 : i32
      %dma_wait3A_47 = tpu.memref_slice %arg3[%dma_wait3A_45, %dma_wait3A_46] : memref<1000000x32xf32, #tpu.memory_space<hbm>> -> memref<1000000x32xf32, #tpu.memory_space<hbm>>
      tpu.wait_indirect_dma semaphore(%arg7 : memref<!tpu.dma_semaphore, #tpu.memory_space<semaphore_mem>>) src(%dma_wait3A_47 : memref<1000000x32xf32, #tpu.memory_space<hbm>>) dst(%dma_wait3A_42 : memref<3000x32xf32, #tpu.memory_space<vmem>>)
      "tpu.region"() ({
        %run_scoped3A = tpu.sem_alloc : memref<!tpu.dma_semaphore, #tpu.memory_space<semaphore_mem>>
        %dma_start3A_48 = arith.constant 0 : i32
        %dma_start3A_49 = arith.constant 0 : i32
        %dma_start3A_50 = tpu.memref_slice %arg6[%dma_start3A_48, %dma_start3A_49] : memref<3000x32xf32, #tpu.memory_space<vmem>> -> memref<3000x32xf32, #tpu.memory_space<vmem>>
        %dma_start3A_51 = arith.constant 0 : i32
        %dma_start3A_52 = tpu.memref_slice %arg4[%multiple_of3A_31, %dma_start3A_51] : memref<1600000x32xf32, #tpu.memory_space<hbm>> -> memref<3000x32xf32, #tpu.memory_space<hbm>>
        %dma_start3A_53 = arith.constant 0 : i32
        %dma_start3A_54 = tpu.memref_slice %arg4[%multiple_of3A_31, %dma_start3A_53] : memref<1600000x32xf32, #tpu.memory_space<hbm>> -> memref<3000x32xf32, #tpu.memory_space<hbm>>
        %dma_start3A_55 = arith.constant 0 : i32
        %dma_start3A_56 = arith.constant 0 : i32
        %dma_start3A_57 = tpu.memref_slice %arg6[%dma_start3A_55, %dma_start3A_56] : memref<3000x32xf32, #tpu.memory_space<vmem>> -> memref<3000x32xf32, #tpu.memory_space<vmem>>
        tpu.enqueue_dma source(%dma_start3A_57 : memref<3000x32xf32, #tpu.memory_space<vmem>>) target(%dma_start3A_54 : memref<3000x32xf32, #tpu.memory_space<hbm>>) target_semaphore(%run_scoped3A : memref<!tpu.dma_semaphore, #tpu.memory_space<semaphore_mem>>)
        %dma_wait3A_58 = arith.constant 0 : i32
        %dma_wait3A_59 = arith.constant 0 : i32
        %dma_wait3A_60 = tpu.memref_slice %arg6[%dma_wait3A_58, %dma_wait3A_59] : memref<3000x32xf32, #tpu.memory_space<vmem>> -> memref<3000x32xf32, #tpu.memory_space<vmem>>
        %dma_wait3A_61 = arith.constant 0 : i32
        %dma_wait3A_62 = tpu.memref_slice %arg4[%multiple_of3A_31, %dma_wait3A_61] : memref<1600000x32xf32, #tpu.memory_space<hbm>> -> memref<3000x32xf32, #tpu.memory_space<hbm>>
        %dma_wait3A_63 = arith.constant 0 : i32
        %dma_wait3A_64 = tpu.memref_slice %arg4[%multiple_of3A_31, %dma_wait3A_63] : memref<1600000x32xf32, #tpu.memory_space<hbm>> -> memref<3000x32xf32, #tpu.memory_space<hbm>>
        %dma_wait3A_65 = arith.constant 0 : i32
        %dma_wait3A_66 = arith.constant 0 : i32
        %dma_wait3A_67 = tpu.memref_slice %arg6[%dma_wait3A_65, %dma_wait3A_66] : memref<3000x32xf32, #tpu.memory_space<vmem>> -> memref<3000x32xf32, #tpu.memory_space<vmem>>
        tpu.wait_dma2 semaphore(%run_scoped3A : memref<!tpu.dma_semaphore, #tpu.memory_space<semaphore_mem>>) src(%dma_wait3A_67 : memref<3000x32xf32, #tpu.memory_space<vmem>>) dst(%dma_wait3A_64 : memref<3000x32xf32, #tpu.memory_space<hbm>>)
        tpu.yield
      }) : () -> ()
    }
    %scan3A_6 = arith.constant 16 : i32
    %add3A_7 = arith.constant 48000 : i32
    %add3A_8 = arith.addi %mul3A_2, %add3A_7 : i32
    %multiple_of3A = tpu.assume_multiple %add3A_8, 8 : i32
    "tpu.region"() ({
      %run_scoped3A = tpu.sem_alloc : memref<!tpu.dma_semaphore, #tpu.memory_space<semaphore_mem>>
      %dma_start3A_23 = arith.constant 0 : i32
      %dma_start3A_24 = tpu.memref_slice %arg5[%dma_start3A_23] : memref<3000xi32, #tpu.memory_space<vmem>> -> memref<2000xi32, #tpu.memory_space<vmem>>
      %dma_start3A_25 = tpu.memref_slice %arg2[%multiple_of3A] : memref<1600000xi32, #tpu.memory_space<hbm>> -> memref<2000xi32, #tpu.memory_space<hbm>>
      %dma_start3A_26 = arith.constant 0 : i32
      %dma_start3A_27 = tpu.memref_slice %arg5[%dma_start3A_26] : memref<3000xi32, #tpu.memory_space<vmem>> -> memref<2000xi32, #tpu.memory_space<vmem>>
      %dma_start3A_28 = tpu.memref_slice %arg2[%multiple_of3A] : memref<1600000xi32, #tpu.memory_space<hbm>> -> memref<2000xi32, #tpu.memory_space<hbm>>
      tpu.enqueue_dma source(%dma_start3A_28 : memref<2000xi32, #tpu.memory_space<hbm>>) target(%dma_start3A_27 : memref<2000xi32, #tpu.memory_space<vmem>>) target_semaphore(%run_scoped3A : memref<!tpu.dma_semaphore, #tpu.memory_space<semaphore_mem>>)
      %dma_wait3A_29 = arith.constant 0 : i32
      %dma_wait3A_30 = tpu.memref_slice %arg5[%dma_wait3A_29] : memref<3000xi32, #tpu.memory_space<vmem>> -> memref<2000xi32, #tpu.memory_space<vmem>>
      %dma_wait3A_31 = tpu.memref_slice %arg2[%multiple_of3A] : memref<1600000xi32, #tpu.memory_space<hbm>> -> memref<2000xi32, #tpu.memory_space<hbm>>
      %dma_wait3A_32 = arith.constant 0 : i32
      %dma_wait3A_33 = tpu.memref_slice %arg5[%dma_wait3A_32] : memref<3000xi32, #tpu.memory_space<vmem>> -> memref<2000xi32, #tpu.memory_space<vmem>>
      %dma_wait3A_34 = tpu.memref_slice %arg2[%multiple_of3A] : memref<1600000xi32, #tpu.memory_space<hbm>> -> memref<2000xi32, #tpu.memory_space<hbm>>
      tpu.wait_dma2 semaphore(%run_scoped3A : memref<!tpu.dma_semaphore, #tpu.memory_space<semaphore_mem>>) src(%dma_wait3A_34 : memref<2000xi32, #tpu.memory_space<hbm>>) dst(%dma_wait3A_33 : memref<2000xi32, #tpu.memory_space<vmem>>)
      tpu.yield
    }) : () -> ()
    %dma_start3A = arith.constant 0 : i32
    %dma_start3A_9 = arith.constant 0 : i32
    %dma_start3A_10 = tpu.memref_slice %arg6[%dma_start3A, %dma_start3A_9] : memref<3000x32xf32, #tpu.memory_space<vmem>> -> memref<2000x32xf32, #tpu.memory_space<vmem>>
    %dma_start3A_11 = arith.constant 0 : i32
    %dma_start3A_12 = tpu.memref_slice %arg5[%dma_start3A_11] : memref<3000xi32, #tpu.memory_space<vmem>> -> memref<2000xi32, #tpu.memory_space<vmem>>
    %dma_start3A_13 = arith.constant 0 : i32
    %dma_start3A_14 = arith.constant 0 : i32
    %dma_start3A_15 = tpu.memref_slice %arg3[%dma_start3A_13, %dma_start3A_14] : memref<1000000x32xf32, #tpu.memory_space<hbm>> -> memref<1000000x32xf32, #tpu.memory_space<hbm>>
    tpu.enqueue_indirect_dma source(%dma_start3A_15 : memref<1000000x32xf32, #tpu.memory_space<hbm>>) target(%dma_start3A_10 : memref<2000x32xf32, #tpu.memory_space<vmem>>) offsets(%dma_start3A_12 : memref<2000xi32, #tpu.memory_space<vmem>>) semaphore(%arg7 : memref<!tpu.dma_semaphore, #tpu.memory_space<semaphore_mem>>)
    %dma_wait3A = arith.constant 0 : i32
    %dma_wait3A_16 = arith.constant 0 : i32
    %dma_wait3A_17 = tpu.memref_slice %arg6[%dma_wait3A, %dma_wait3A_16] : memref<3000x32xf32, #tpu.memory_space<vmem>> -> memref<2000x32xf32, #tpu.memory_space<vmem>>
    %dma_wait3A_18 = arith.constant 0 : i32
    %dma_wait3A_19 = tpu.memref_slice %arg5[%dma_wait3A_18] : memref<3000xi32, #tpu.memory_space<vmem>> -> memref<2000xi32, #tpu.memory_space<vmem>>
    %dma_wait3A_20 = arith.constant 0 : i32
    %dma_wait3A_21 = arith.constant 0 : i32
    %dma_wait3A_22 = tpu.memref_slice %arg3[%dma_wait3A_20, %dma_wait3A_21] : memref<1000000x32xf32, #tpu.memory_space<hbm>> -> memref<1000000x32xf32, #tpu.memory_space<hbm>>
    tpu.wait_indirect_dma semaphore(%arg7 : memref<!tpu.dma_semaphore, #tpu.memory_space<semaphore_mem>>) src(%dma_wait3A_22 : memref<1000000x32xf32, #tpu.memory_space<hbm>>) dst(%dma_wait3A_17 : memref<2000x32xf32, #tpu.memory_space<vmem>>)
    "tpu.region"() ({
      %run_scoped3A = tpu.sem_alloc : memref<!tpu.dma_semaphore, #tpu.memory_space<semaphore_mem>>
      %dma_start3A_23 = arith.constant 0 : i32
      %dma_start3A_24 = arith.constant 0 : i32
      %dma_start3A_25 = tpu.memref_slice %arg6[%dma_start3A_23, %dma_start3A_24] : memref<3000x32xf32, #tpu.memory_space<vmem>> -> memref<2000x32xf32, #tpu.memory_space<vmem>>
      %dma_start3A_26 = arith.constant 0 : i32
      %dma_start3A_27 = tpu.memref_slice %arg4[%multiple_of3A, %dma_start3A_26] : memref<1600000x32xf32, #tpu.memory_space<hbm>> -> memref<2000x32xf32, #tpu.memory_space<hbm>>
      %dma_start3A_28 = arith.constant 0 : i32
      %dma_start3A_29 = tpu.memref_slice %arg4[%multiple_of3A, %dma_start3A_28] : memref<1600000x32xf32, #tpu.memory_space<hbm>> -> memref<2000x32xf32, #tpu.memory_space<hbm>>
      %dma_start3A_30 = arith.constant 0 : i32
      %dma_start3A_31 = arith.constant 0 : i32
      %dma_start3A_32 = tpu.memref_slice %arg6[%dma_start3A_30, %dma_start3A_31] : memref<3000x32xf32, #tpu.memory_space<vmem>> -> memref<2000x32xf32, #tpu.memory_space<vmem>>
      tpu.enqueue_dma source(%dma_start3A_32 : memref<2000x32xf32, #tpu.memory_space<vmem>>) target(%dma_start3A_29 : memref<2000x32xf32, #tpu.memory_space<hbm>>) target_semaphore(%run_scoped3A : memref<!tpu.dma_semaphore, #tpu.memory_space<semaphore_mem>>)
      %dma_wait3A_33 = arith.constant 0 : i32
      %dma_wait3A_34 = arith.constant 0 : i32
      %dma_wait3A_35 = tpu.memref_slice %arg6[%dma_wait3A_33, %dma_wait3A_34] : memref<3000x32xf32, #tpu.memory_space<vmem>> -> memref<2000x32xf32, #tpu.memory_space<vmem>>
      %dma_wait3A_36 = arith.constant 0 : i32
      %dma_wait3A_37 = tpu.memref_slice %arg4[%multiple_of3A, %dma_wait3A_36] : memref<1600000x32xf32, #tpu.memory_space<hbm>> -> memref<2000x32xf32, #tpu.memory_space<hbm>>
      %dma_wait3A_38 = arith.constant 0 : i32
      %dma_wait3A_39 = tpu.memref_slice %arg4[%multiple_of3A, %dma_wait3A_38] : memref<1600000x32xf32, #tpu.memory_space<hbm>> -> memref<2000x32xf32, #tpu.memory_space<hbm>>
      %dma_wait3A_40 = arith.constant 0 : i32
      %dma_wait3A_41 = arith.constant 0 : i32
      %dma_wait3A_42 = tpu.memref_slice %arg6[%dma_wait3A_40, %dma_wait3A_41] : memref<3000x32xf32, #tpu.memory_space<vmem>> -> memref<2000x32xf32, #tpu.memory_space<vmem>>
      tpu.wait_dma2 semaphore(%run_scoped3A : memref<!tpu.dma_semaphore, #tpu.memory_space<semaphore_mem>>) src(%dma_wait3A_42 : memref<2000x32xf32, #tpu.memory_space<vmem>>) dst(%dma_wait3A_39 : memref<2000x32xf32, #tpu.memory_space<hbm>>)
      tpu.yield
    }) : () -> ()
    return
  }
}

</mosaic_0001>

<sc_bundles>
// kernel: kernel.4.cloned.1.call-start
scs
__scs_entry_jumppad:
0x0: {  	(pc) =	sbr.rel $0x88, $3  }
0x1: {  	(tag) =	ssettag $0x0;
	lr =	simm.s32 $0x1  }
0x2: {  	[smem:$0x3F9D] =	sst lr;
	_ =	strace $0xD0000000  }
0x3: {  	_ = 	snop  }
0x4: {  	_ = 	snop  }
0x5: {  	_ = 	snop  }
0x6: {  	_ = 	snop  }
0x7: {  	_ = 	snop  }
__scs_overlays_trampoline_lowered:
0x8: {  	[smem:$0x3FAC] =	sst s0  }
0x9: {  	[smem:$0x3FAD] =	sst s1  }
0xa: {  	[smem:$0x3FAE] =	sst s2  }
0xb: {  	[smem:$0x3FAF] =	sst s3  }
0xc: {  	[smem:$0x3FB0] =	sst s4  }
0xd: {  	[smem:$0x3FB1] =	sst s5  }
0xe: {  	[smem:$0x3FB2] =	sst s6  }
0xf: {  	[smem:$0x3FB3] =	sst s7  }
0x10: {  	[smem:$0x3FB4] =	sst s8  }
0x11: {  	[smem:$0x3FB5] =	sst s9;
	s0 =	simm.s32 @!p0 $0x0  }
0x12: {  	s1 =	sld [smem:$0x3F9B];
	s0 =	simm.s32 @p0 $0x1  }
0x13: {  	[smem:$0x3FB6] =	sst s0;
	s0 =	simm.s32 @!p1 $0x0  }
0x14: {  	s2 =	sld [smem:$0x3F9A];
	s0 =	simm.s32 @p1 $0x1  }
0x15: {  	[smem:$0x3FB7] =	sst s0;
	s0 =	simm.s32 @!p2 $0x0  }
0x16: {  	s3 =	sld [smem:$0x3FDB];
	s0 =	simm.s32 @p2 $0x1  }
0x17: {  	s4 =	simm.s32 $0x1BF5;
	[smem:$0x3FB9] =	sst s0  }
0x18: {  	s0 =	sld [smem:$0x3F9C];
	_ =	swait.ge [sflag:s4], $0x0  }
0x19: {  	s7 =	sld [smem:$0x3F9D]  }
0x1a: {  	s8 =	sadd.s32 $0xFFFFE003, lr  }
0x1b: {  	s9 =	sadd.s32 $0xFFFFFEF7, lr;
	s5 =	simm.s32 $0xFFFFFFFF;
	p2 =	slt.u32 s8, $0xFFFFF086  }
0x1c: {  	p1 =	slt.u32 s9, $0xF7A;
	s5 =	simm.s32 @!p2 $0x0  }
0x1d: {  	s5 =	simm.s32 @p1 $0x1;
	p0 =	seq.s32 s7, s2  }
0x1e: {  	s7 =	smul.u32 @!p0 $0xF7A, s2;
	p2 =	seq.s32 @!p0 s5, $0x0  }
0x1f: {  	s9 =	smul.u32 $0xF7A, s1;
	s8 =	simm.s32 @!p0 $0x1BF5;
	p2 =	por !p2, p0  }
0x20: {  	[sflag:s8] =	ssyncset.s32 @!p0 $0xFFFFF086;
	s6 =	sadd.s32 @!p0 s3, s7;
	s7 =	simm.s32 @!p0 $0x108  }
0x21: {  	s3 =	sadd.s32 s3, s9;
	s6 =	sadd.s32 @!p0 $0x88, s6;
	s7 =	simm.s32 @p2 $0x1082  }
0x22: {  	[simem:s7], [sflag:s8] =	dma.local @!p0 [hbm:s6], $0xF7A  }
0x23: {  	s9 =	sor.u32 $0xD0000000, s2;
	s6 =	simm.s32 $0x108;
	_ =	swait.ge @!p0 [sflag:s8], $0x0  }
0x24: {  	s3 =	sadd.s32 $0x88, s3;
	s6 =	simm.s32 @!p1 $0x1082;
	[sflag:s4] =	ssyncset.s32 $0xFFFFF086  }
0x25: {  	[simem:s6], [sflag:s4] =	dma.local [hbm:s3], $0xF7A  }
0x26: {  	[smem:$0x3F9D] =	sst s1;
	(tag) =	ssettag s2;
	_ =	strace s9  }
0x27: {  	s1 =	sld [smem:$0x3FAD]  }
0x28: {  	s2 =	sld [smem:$0x3FAE]  }
0x29: {  	s4 =	sld [smem:$0x3FB0]  }
0x2a: {  	p0 =	seq.s32 s5, $0x0;
	s5 =	sld [smem:$0x3FB1]  }
0x2b: {  	s6 =	sld [smem:$0x3FB2]  }
0x2c: {  	s7 =	sld [smem:$0x3FB3]  }
0x2d: {  	s3 =	simm.s32 $0x108;
	s8 =	sld [smem:$0x3FB4]  }
0x2e: {  	s3 =	simm.s32 @!p0 $0x1082;
	s9 =	sld [smem:$0x3FB5]  }
0x2f: {  	lr =	sadd.s32 s0, s3;
	s0 =	sld [smem:$0x3FAC]  }
0x30: {  	s3 =	sld [smem:$0x3FAF]  }
0x31: {  	[smem:$0x3FB8] =	sst s10  }
0x32: {  	s10 =	sld [smem:$0x3FB6];
	_ =	sdelay $0x3  }
0x33: {  	p0 =	seq.s32 s10, $0x1;
	s10 =	sld [smem:$0x3FB8];
	_ =	sdelay $0x3  }
0x34: {  	[smem:$0x3FB8] =	sst s10  }
0x35: {  	s10 =	sld [smem:$0x3FB7];
	_ =	sdelay $0x3  }
0x36: {  	p1 =	seq.s32 s10, $0x1;
	s10 =	sld [smem:$0x3FB8];
	_ =	sdelay $0x3  }
0x37: {  	[smem:$0x3FB8] =	sst s10  }
0x38: {  	s10 =	sld [smem:$0x3FB9]  }
0x39: {  	_ = 	snop;
	(pc) =	sbr.ind lr, $3  }
0x3a: {  	_ = 	snop  }
0x3b: {  	_ = 	snop  }
0x3c: {  	p2 =	seq.s32 s10, $0x1;
	s10 =	sld [smem:$0x3FB8]  }
0x3d: {  	_ =	shalt  }
0x3e: {  	_ =	shalt  }
0x3f: {  	_ =	shalt  }
0x40: {  	_ =	shalt  }
0x41: {  	_ =	shalt  }
0x42: {  	_ =	shalt  }
0x43: {  	_ =	shalt  }
0x44: {  	_ =	shalt  }
0x45: {  	_ =	shalt  }
0x46: {  	_ =	shalt  }
0x47: {  	_ =	shalt  }
0x48: {  	_ =	shalt  }
0x49: {  	_ =	shalt  }
0x4a: {  	_ =	shalt  }
0x4b: {  	_ =	shalt  }
0x4c: {  	_ =	shalt  }
0x4d: {  	_ =	shalt  }
0x4e: {  	_ =	shalt  }
0x4f: {  	_ =	shalt  }
0x50: {  	_ =	shalt  }
0x51: {  	_ =	shalt  }
0x52: {  	_ =	shalt  }
0x53: {  	_ =	shalt  }
0x54: {  	_ =	shalt  }
0x55: {  	_ =	shalt  }
0x56: {  	_ =	shalt  }
0x57: {  	_ =	shalt  }
0x58: {  	_ =	shalt  }
0x59: {  	_ =	shalt  }
0x5a: {  	_ =	shalt  }
0x5b: {  	_ =	shalt  }
0x5c: {  	_ =	shalt  }
0x5d: {  	_ =	shalt  }
0x5e: {  	_ =	shalt  }
0x5f: {  	_ =	shalt  }
0x60: {  	_ =	shalt  }
0x61: {  	_ =	shalt  }
0x62: {  	_ =	shalt  }
0x63: {  	_ =	shalt  }
0x64: {  	_ =	shalt  }
0x65: {  	_ =	shalt  }
0x66: {  	_ =	shalt  }
0x67: {  	_ =	shalt  }
0x68: {  	_ =	shalt  }
0x69: {  	_ =	shalt  }
0x6a: {  	_ =	shalt  }
0x6b: {  	_ =	shalt  }
0x6c: {  	_ =	shalt  }
0x6d: {  	_ =	shalt  }
0x6e: {  	_ =	shalt  }
0x6f: {  	_ =	shalt  }
0x70: {  	_ =	shalt  }
0x71: {  	_ =	shalt  }
0x72: {  	_ =	shalt  }
0x73: {  	_ =	shalt  }
0x74: {  	_ =	shalt  }
0x75: {  	_ =	shalt  }
0x76: {  	_ =	shalt  }
0x77: {  	_ =	shalt  }
0x78: {  	_ =	shalt  }
0x79: {  	_ =	shalt  }
0x7a: {  	_ =	shalt  }
0x7b: {  	_ =	shalt  }
0x7c: {  	_ =	shalt  }
0x7d: {  	_ =	shalt  }
0x7e: {  	_ =	shalt  }
0x7f: {  	_ =	shalt  }
0x80: {  	_ =	shalt  }
0x81: {  	_ =	shalt  }
0x82: {  	_ =	shalt  }
0x83: {  	_ =	shalt  }
0x84: {  	_ =	shalt  }
0x85: {  	_ =	shalt  }
0x86: {  	_ =	shalt  }
0x87: {  	_ =	shalt  }
.Lfunc_end0:
.L_simem_size_0:
called_computation.1_lowered:
.L_overlay_start_0:
0x88: {  	s2 =	sld [smem:$0x3FD9]  }
0x89: {  	s3 =	sld [smem:$0x3FFE];
	_ =	sdelay $0x1  }
0x8a: {  	s1 =	srdreg.scid  }
0x8b: {  	s0 =	sand.u32 $0x1, s1  }
0x8c: {  	s15 =	sshll.u32 s0, $0xA;
	s2 =	sadd.s32 s3, s2  }
0x8d: {  	s2 =	sadd.s32 s2, s15  }
0x8e: {  	[smem:$0x3FC4] =	sst s2  }
0x8f: {  	_ = 	snop  }
0x90: {  	s2 =	sld [smem:$0x3FD0];
	_ =	sdelay $0x2  }
0x91: {  	s16 =	simm.s32 $0xB;
	s4 =	simm.s32 $0x10  }
0x92: {  	[smem:s4], [sflag:s16] =	dma.local [hbm:s2], $0x1  }
0x93: {  	_ =	swait.eq [sflag:s16], $0x1  }
0x94: {  	[sflag:s16] =	ssyncset.done $0x0  }
0x95: {  	[sflag:s16] =	ssyncadd.s32 $0xFFFFFFFF  }
0x96: {  	s17 =	sld [smem:$0x10];
	(tm) =	ssettm $0x1  }
0x97: {  	s18 =	sld [smem:$0x3FFB];
	_ =	sdelay $0x3  }
0x98: {  	_ =	strace s18  }
0x99: {  	s2 =	sld [smem:$0x3FFC];
	_ =	sdelay $0x3  }
0x9a: {  	_ =	strace s2  }
0x9b: {  	s2 =	sld [smem:$0x3FFD];
	_ =	sdelay $0x3  }
0x9c: {  	_ =	strace s2  }
0x9d: {  	_ =	strace $0x8FFFFFFF  }
0x9e: {  	s19 =	sld [smem:$0x3FDB];
	_ =	sdelay $0x1  }
0x9f: {  	s20 =	simm.s32 $_scs_section_size  }
0xa0: {  	s5 =	simm.s32 $_size__tile_overlayer_lowered;
	s6 =	simm.s32 $_tile_overlayer_lowered  }
0xa1: {  	s7 =	simm.s32 $0x1BFF;
	s21 =	sshll.u32 s6, $0x1;
	s4 =	sadd.s32 s20, s19  }
0xa2: {  	s22 =	simm.s32 $0x0;
	s5 =	sshll.u32 s5, $0x1;
	s6 =	sadd.s32 s21, s4  }
0xa3: {  	[timem:s22], [sflag:s7] =	dma.local [hbm:s6], s5  }
0xa4: {  	_ =	swait.ge [sflag:s7], s5  }
0xa5: {  	s5 =	ssub.s32 $0x0, s5;
	[sflag:s7] =	ssyncset.done $0x0  }
0xa6: {  	[sflag:s7] =	ssyncadd.s32 s5;
	_ =	sdelay $0x1  }
0xa7: {  	s23 =	simm.s32 $0x1B8B  }
0xa8: {  	_ =	swait.ge [sflag:s23], $0x1  }
0xa9: {  	[sflag:s23] =	ssyncset.done $0x0  }
0xaa: {  	[sflag:s23] =	ssyncadd.s32 $0xFFFFFFFF  }
0xab: {  	s5 =	sld [smem:$0x0]  }
0xac: {  	s6 =	sand.u32 $0xFFFFFFFE, s1  }
0xad: {  	p0 =	sne.s32 s1, s6  }
0xae: {  	s6 =	sshll.u32 @p0 s6, $0xE  }
0xaf: {  	s6 =	sadd.s32 @p0 $0x11B8D, s6;
	s7 =	sshll.u32 @p0 s5, $0x11  }
0xb0: {  	s6 =	sor.u32 @p0 s7, s6  }
0xb1: {  	[sflag:s6] =	ssyncadd.remote.s32 @p0 $0x1;
	_ =	sdelay $0x1  }
0xb2: {  	s6 =	simm.s32 @p0 $0x1B8D  }
0xb3: {  	_ =	swait.eq @p0 [sflag:s6], $0x1  }
0xb4: {  	[sflag:s6] =	ssyncadd.s32 @p0 $0xFFFFFFFF  }
0xb5: {  	s7 =	sshll.u32 @!p0 s1, $0xE  }
0xb6: {  	s7 =	sor.u32 @!p0 $0x4000, s7;
	s6 =	simm.s32 @!p0 $0x1B8D  }
0xb7: {  	s5 =	sshll.u32 @!p0 s5, $0x11;
	s7 =	sadd.s32 @!p0 $0x11B8D, s7;
	_ =	swait.eq @!p0 [sflag:s6], $0x1  }
0xb8: {  	s5 =	sor.u32 @!p0 s5, s7;
	[sflag:s6] =	ssyncadd.s32 @!p0 $0xFFFFFFFF  }
0xb9: {  	s25 =	simm.s32 $0x1B8E;
	s24 =	sld [smem:$0x3FFE];
	[sflag:s5] =	ssyncadd.remote.s32 @!p0 $0x1  }
0xba: {  	s26 =	simm.s32 $execute0_lowered;
	[smem:$0x3FD2] =	sst s25  }
0xbb: {  	s6 =	sshll.u32 s26, $0x1;
	_ =	strace $0x80000049;
	[dreg:$0x1] =	wrdreg $0xFFFFFFFF  }
0xbc: {  	s28 =	simm.s32 $_size_execute0_lowered;
	s4 =	sadd.s32 s4, s6;
	[dreg:$0x0] =	wrdreg $0x0  }
0xbd: {  	s6 =	sshll.u32 s28, $0x1;
	[dreg:$0x2] =	wrdreg s4  }
0xbe: {  	[dreg:$0x3] =	wrdreg s6  }
0xbf: {  	[dreg:$0x4] =	wrdreg $0xC0  }
0xc0: {  	_ =	task [dreg:s22], $0x5FFFF  }
0xc1: {  	[dreg:$0x1] =	wrdreg $0xFFFFFFFF  }
0xc2: {  	[dreg:$0x0] =	wrdreg $0x60  }
0xc3: {  	[dreg:$0x2] =	wrdreg s24  }
0xc4: {  	[dreg:$0x3] =	wrdreg s17  }
0xc5: {  	[dreg:$0x4] =	wrdreg $0x9  }
0xc6: {  	_ =	task.clear_ibuf [dreg:s22], $0x5FFFF;
	_ =	strace $0x90000049  }
0xc7: {  	s29 =	simm.s32 $0x9;
	_ =	strace $0x8000004B  }
0xc8: {  	_ =	swait.ge [sflag:s29], $0x1  }
0xc9: {  	[sflag:s29] =	ssyncadd.s32 $0xFFFFFFFF  }
0xca: {  	_ =	strace $0x9000004B  }
0xcb: {  	_ =	sfence  }
0xcc: {  	s30 =	sld [smem:$0x0];
	_ =	sdelay $0x2  }
0xcd: {  	s31 =	sshll.u32 s1, $0xD;
	s1 =	sshrl.u32 s1, $0x2  }
0xce: {  	s4 =	sand.u32 $0x4000, s31;
	s1 =	sadd.s32 s1, s30  }
0xcf: {  	s0 =	sor.u32 s4, s0;
	s1 =	sshll.u32 s1, $0x11  }
0xd0: {  	s0 =	sor.u32 s1, s0  }
0xd1: {  	s0 =	sadd.s32 $0x8F2B, s0  }
0xd2: {  	[sflag:s0] =	ssyncadd.remote.s32 $0x1  }
0xd3: {  	_ =	sfence.sel $0xFFFF  }
0xd4: {  	[dreg:$0x0] =	wrdreg $0xFFFFFFFF;
	(pc) =	sbr.abs _section_cstart, $3  }
0xd5: {  	[dreg:$0x1] =	wrdreg $0xFFFFFFFF  }
0xd6: {  	_ =	task.clear_ibuf [dreg:s22], $0x2FFFF;
	_ =	strace $0x9FFFFFFF  }
0xd7: {  	(tm) =	ssettm $0x7FFFFFFF  }
tec
execute0_lowered:
.L_overlay_start_1:
0x0: {  	(tag) =	ssettag $0x1  }
0x1: {  	s1 =	srdreg.scid;
	s0 =	stileid.u32  }
0x2: {  	s10 =	sand.u32 $0x1, s1;
	s30 =	sshll.u32 s0, $0x1  }
0x3: {  	s5 =	rddreg [dreg:$0x0];
	s8 =	sor.u32 s10, s30  }
0x4: {  	s11 =	rddreg [dreg:$0x1];
	s9 =	smul.u32 $0xC38, s8  }
0x5: {  	s2 =	simm.s32 $0x0;
	s1 =	rddreg [dreg:$0x2]  }
0x6: {  	[smem:$0x7FF] =	sst s2;
	s12 =	sadd.s32 $0xE00, s5;
	s3 =	sshrl.u32 s9, $0x3  }
0x7: {  	_ =	strace $0x8000004A;
	s4 =	sadd.s32 s12, s3;
	s3 =	simm.s32 $0x2  }
0x8: {  	[tilespmem:s2], [sflag:$0x2] =	stream.linear.gather [hbm4b:s4+s2], $0xBB8, $0x38;
	[tilespmem:$0x182B8] =	vst v63  }
0x9: {  	_ =	swait.ge [sflag:s3], $0xBB8  }
0xa: {  	s6 =	simm.s32 $0xBB8;
	[sflag:s3] =	ssyncset.done $0x0  }
0xb: {  	s7 =	simm.s32 $0x1;
	s5 =	sadd.s32 $0x1313C00, s5;
	[sflag:s3] =	ssyncadd.s32 $0xFFFFF448  }
0xc: {  	[tilespmem:s6], [sflag:$0x1] =	stream.indirect.gather [hbm4b:s5+s6], $0x20, s2, s6, $0xb8;
	[tilespmem:$0x182B8] =	vst v63  }
0xd: {  	s8 =	smul.u32 $0x30E0, s8;
	_ =	swait.ge [sflag:s7], $0x17700  }
0xe: {  	[sflag:s7] =	ssyncset.done $0x0  }
0xf: {  	s8 =	sadd.s32 s11, s8;
	[sflag:s7] =	ssyncadd.s32 $0xFFFE8900  }
0x10: {  	[hbm4b:s8+s2] =	stream.linear.scatter [tilespmem:s6], [sflag:$0x2], $0x17700, $0x38;
	[tilespmem:$0x182B8] =	vst v63  }
0x11: {  	s13 =	sadd.s32 $0xBB8, s9;
	_ =	swait.ge [sflag:s3], $0x17700  }
0x12: {  	s9 =	sshrl.u32 s13, $0x3;
	[sflag:s3] =	ssyncset.done $0x0  }
0x13: {  	s31 =	ssub.s32 $0x2, s10;
	s9 =	sadd.s32 s12, s9;
	[sflag:s3] =	ssyncadd.s32 $0xFFFE8900  }
0x14: {  	[tilespmem:s2], [sflag:$0x2] =	stream.linear.gather [hbm4b:s9+s2], $0x80, $0x38;
	[tilespmem:$0x182B8] =	vst v63  }
0x15: {  	s14 =	sshrl.u32 s31, $0x1;
	_ =	swait.ge [sflag:s3], $0x80  }
0x16: {  	s12 =	ssub.s32 s31, s14;
	[sflag:s3] =	ssyncset.done $0x0  }
0x17: {  	s10 =	simm.s32 $0x80;
	s12 =	smax.u32 s12, $0x1;
	[sflag:s3] =	ssyncadd.s32 $0xFFFFFF80  }
0x18: {  	[tilespmem:s6], [sflag:$0x1] =	stream.indirect.gather [hbm4b:s5+s10], $0x20, s2, s10, $0xb8;
	[tilespmem:$0x182B8] =	vst v63  }
0x19: {  	p0 =	sne.s32 s12, $0x1;
	_ =	swait.ge [sflag:s7], $0x1000  }
.Ltmp0:
0x1a: {  	s13 =	sshll.u32 s13, $0x2;
	[sflag:s7] =	ssyncset.done $0x0;
	(pc) =	sbr.rel @!p0 .LBB2_2-.Ltmp0, $4  }
0x1b: {  	s11 =	sadd.s32 s11, s13;
	[sflag:s7] =	ssyncadd.s32 $0xFFFFF000  }
0x1c: {  	[hbm4b:s11+s2] =	stream.linear.scatter [tilespmem:s6], [sflag:$0x2], $0x1000, $0x38;
	[tilespmem:$0x182B8] =	vst v63  }
0x1d: {  	_ =	swait.ge [sflag:s3], $0x1000  }
0x1e: {  	s12 =	sadd.s32 $0xFFFFFFFF, s12;
	[sflag:s3] =	ssyncset.done $0x0  }
.LBB2_1:
0x1f: {  	p0 =	sne.s32 s12, $0x1;
	s12 =	sadd.s32 $0xFFFFFFFF, s12;
	[sflag:s3] =	ssyncadd.s32 $0xFFFFF000  }
0x20: {  	[tilespmem:s2], [sflag:$0x2] =	stream.linear.gather [hbm4b:s4+s2], $0xBB8, $0x38;
	[tilespmem:$0x182B8] =	vst v63  }
0x21: {  	_ =	swait.ge [sflag:s3], $0xBB8  }
0x22: {  	[sflag:s3] =	ssyncset.done $0x0  }
0x23: {  	[sflag:s3] =	ssyncadd.s32 $0xFFFFF448  }
0x24: {  	[tilespmem:s6], [sflag:$0x1] =	stream.indirect.gather [hbm4b:s5+s6], $0x20, s2, s6, $0xb8;
	[tilespmem:$0x182B8] =	vst v63  }
0x25: {  	_ =	swait.ge [sflag:s7], $0x17700  }
0x26: {  	[sflag:s7] =	ssyncset.done $0x0  }
0x27: {  	[sflag:s7] =	ssyncadd.s32 $0xFFFE8900  }
0x28: {  	[hbm4b:s8+s2] =	stream.linear.scatter [tilespmem:s6], [sflag:$0x2], $0x17700, $0x38;
	[tilespmem:$0x182B8] =	vst v63  }
0x29: {  	_ =	swait.ge [sflag:s3], $0x17700  }
0x2a: {  	[sflag:s3] =	ssyncset.done $0x0  }
0x2b: {  	[sflag:s3] =	ssyncadd.s32 $0xFFFE8900  }
0x2c: {  	[tilespmem:s2], [sflag:$0x2] =	stream.linear.gather [hbm4b:s9+s2], $0x80, $0x38;
	[tilespmem:$0x182B8] =	vst v63  }
0x2d: {  	_ =	swait.ge [sflag:s3], $0x80  }
0x2e: {  	[sflag:s3] =	ssyncset.done $0x0  }
0x2f: {  	[sflag:s3] =	ssyncadd.s32 $0xFFFFFF80  }
0x30: {  	[tilespmem:s6], [sflag:$0x1] =	stream.indirect.gather [hbm4b:s5+s10], $0x20, s2, s10, $0xb8;
	[tilespmem:$0x182B8] =	vst v63  }
0x31: {  	_ =	swait.ge [sflag:s7], $0x1000  }
.Ltmp1:
0x32: {  	[sflag:s7] =	ssyncset.done $0x0;
	(pc) =	sbr.rel @p0 .LBB2_1-.Ltmp1, $4  }
0x33: {  	[sflag:s7] =	ssyncadd.s32 $0xFFFFF000  }
0x34: {  	[hbm4b:s11+s2] =	stream.linear.scatter [tilespmem:s6], [sflag:$0x2], $0x1000, $0x38;
	[tilespmem:$0x182B8] =	vst v63  }
0x35: {  	_ =	swait.ge [sflag:s3], $0x1000  }
0x36: {  	[sflag:s3] =	ssyncset.done $0x0  }
.LBB2_2:
0x37: {  	[sflag:s3] =	ssyncadd.s32 $0xFFFFF000  }
0x38: {  	_ =	sfence.sel $0x180000  }
0x39: {  	[bflag:$0x0] =	sbarrier.arrive $0xFFFF  }
0x3a: {  	p0 =	sne.s32 s0, $0x0;
	_ =	strace $0x9000004A  }
0x3b: {  	s0 =	sadd.s32 @!p0 $0x100000, s1;
	[bflag:$0x2] =	sbarrier.arrive $0xFFFF  }
0x3c: {  	[sflag:s0] =	ssyncadd.tile.s32 @!p0 $0x1;
	_ =	shalt  }
.Lfunc_end2:
_tile_overlayer_lowered:
.L_overlay_start_2:
0x3d: {  	(tag) =	ssettag $0x2  }
0x3e: {  	s0 =	rddreg [dreg:$0x0];
	s2 =	stileid.u32  }
0x3f: {  	s1 =	rddreg [dreg:$0x1];
	p0 =	sne.s32 s2, $0x0  }
0x40: {  	s3 =	rddreg [dreg:$0x2];
	[bflag:$0x3] =	sbarrier.arrive $0xFFFF;
	s2 =	simm.s32 @!p0 $0x1C02  }
0x41: {  	[timem:s3], [sflag:s2] =	dma.local @!p0 [hbm:s0], s1  }
0x42: {  	s0 =	simm.s32 @!p0 $0x2  }
0x43: {  	_ =	swait.ge @!p0 [sflag:s0], s1  }
0x44: {  	s1 =	ssub.s32 @!p0 $0x0, s1;
	[sflag:s0] =	ssyncset.done @!p0 $0x0  }
0x45: {  	[sflag:s0] =	ssyncadd.s32 @!p0 s1  }
0x46: {  	[bflag:$0x3] =	sbarrier.arrive $0xFFFF  }
0x47: {  	_ =	shalt  }

// kernel: kernel.7.cloned.1.call-start
scs
__scs_entry_jumppad:
0x0: {  	(pc) =	sbr.rel $0x88, $3  }
0x1: {  	(tag) =	ssettag $0x0;
	lr =	simm.s32 $0x1  }
0x2: {  	[smem:$0x3F9D] =	sst lr;
	_ =	strace $0xD0000000  }
0x3: {  	_ = 	snop  }
0x4: {  	_ = 	snop  }
0x5: {  	_ = 	snop  }
0x6: {  	_ = 	snop  }
0x7: {  	_ = 	snop  }
__scs_overlays_trampoline_lowered:
0x8: {  	[smem:$0x3FAC] =	sst s0  }
0x9: {  	[smem:$0x3FAD] =	sst s1  }
0xa: {  	[smem:$0x3FAE] =	sst s2  }
0xb: {  	[smem:$0x3FAF] =	sst s3  }
0xc: {  	[smem:$0x3FB0] =	sst s4  }
0xd: {  	[smem:$0x3FB1] =	sst s5  }
0xe: {  	[smem:$0x3FB2] =	sst s6  }
0xf: {  	[smem:$0x3FB3] =	sst s7  }
0x10: {  	[smem:$0x3FB4] =	sst s8  }
0x11: {  	[smem:$0x3FB5] =	sst s9;
	s0 =	simm.s32 @!p0 $0x0  }
0x12: {  	s1 =	sld [smem:$0x3F9B];
	s0 =	simm.s32 @p0 $0x1  }
0x13: {  	[smem:$0x3FB6] =	sst s0;
	s0 =	simm.s32 @!p1 $0x0  }
0x14: {  	s2 =	sld [smem:$0x3F9A];
	s0 =	simm.s32 @p1 $0x1  }
0x15: {  	[smem:$0x3FB7] =	sst s0;
	s0 =	simm.s32 @!p2 $0x0  }
0x16: {  	s3 =	sld [smem:$0x3FDB];
	s0 =	simm.s32 @p2 $0x1  }
0x17: {  	s4 =	simm.s32 $0x1BF5;
	[smem:$0x3FB9] =	sst s0  }
0x18: {  	s0 =	sld [smem:$0x3F9C];
	_ =	swait.ge [sflag:s4], $0x0  }
0x19: {  	s7 =	sld [smem:$0x3F9D]  }
0x1a: {  	s8 =	sadd.s32 $0xFFFFE003, lr  }
0x1b: {  	s9 =	sadd.s32 $0xFFFFFEF7, lr;
	s5 =	simm.s32 $0xFFFFFFFF;
	p2 =	slt.u32 s8, $0xFFFFF086  }
0x1c: {  	p1 =	slt.u32 s9, $0xF7A;
	s5 =	simm.s32 @!p2 $0x0  }
0x1d: {  	s5 =	simm.s32 @p1 $0x1;
	p0 =	seq.s32 s7, s2  }
0x1e: {  	s7 =	smul.u32 @!p0 $0xF7A, s2;
	p2 =	seq.s32 @!p0 s5, $0x0  }
0x1f: {  	s9 =	smul.u32 $0xF7A, s1;
	s8 =	simm.s32 @!p0 $0x1BF5;
	p2 =	por !p2, p0  }
0x20: {  	[sflag:s8] =	ssyncset.s32 @!p0 $0xFFFFF086;
	s6 =	sadd.s32 @!p0 s3, s7;
	s7 =	simm.s32 @!p0 $0x108  }
0x21: {  	s3 =	sadd.s32 s3, s9;
	s6 =	sadd.s32 @!p0 $0x88, s6;
	s7 =	simm.s32 @p2 $0x1082  }
0x22: {  	[simem:s7], [sflag:s8] =	dma.local @!p0 [hbm:s6], $0xF7A  }
0x23: {  	s9 =	sor.u32 $0xD0000000, s2;
	s6 =	simm.s32 $0x108;
	_ =	swait.ge @!p0 [sflag:s8], $0x0  }
0x24: {  	s3 =	sadd.s32 $0x88, s3;
	s6 =	simm.s32 @!p1 $0x1082;
	[sflag:s4] =	ssyncset.s32 $0xFFFFF086  }
0x25: {  	[simem:s6], [sflag:s4] =	dma.local [hbm:s3], $0xF7A  }
0x26: {  	[smem:$0x3F9D] =	sst s1;
	(tag) =	ssettag s2;
	_ =	strace s9  }
0x27: {  	s1 =	sld [smem:$0x3FAD]  }
0x28: {  	s2 =	sld [smem:$0x3FAE]  }
0x29: {  	s4 =	sld [smem:$0x3FB0]  }
0x2a: {  	p0 =	seq.s32 s5, $0x0;
	s5 =	sld [smem:$0x3FB1]  }
0x2b: {  	s6 =	sld [smem:$0x3FB2]  }
0x2c: {  	s7 =	sld [smem:$0x3FB3]  }
0x2d: {  	s3 =	simm.s32 $0x108;
	s8 =	sld [smem:$0x3FB4]  }
0x2e: {  	s3 =	simm.s32 @!p0 $0x1082;
	s9 =	sld [smem:$0x3FB5]  }
0x2f: {  	lr =	sadd.s32 s0, s3;
	s0 =	sld [smem:$0x3FAC]  }
0x30: {  	s3 =	sld [smem:$0x3FAF]  }
0x31: {  	[smem:$0x3FB8] =	sst s10  }
0x32: {  	s10 =	sld [smem:$0x3FB6];
	_ =	sdelay $0x3  }
0x33: {  	p0 =	seq.s32 s10, $0x1;
	s10 =	sld [smem:$0x3FB8];
	_ =	sdelay $0x3  }
0x34: {  	[smem:$0x3FB8] =	sst s10  }
0x35: {  	s10 =	sld [smem:$0x3FB7];
	_ =	sdelay $0x3  }
0x36: {  	p1 =	seq.s32 s10, $0x1;
	s10 =	sld [smem:$0x3FB8];
	_ =	sdelay $0x3  }
0x37: {  	[smem:$0x3FB8] =	sst s10  }
0x38: {  	s10 =	sld [smem:$0x3FB9]  }
0x39: {  	_ = 	snop;
	(pc) =	sbr.ind lr, $3  }
0x3a: {  	_ = 	snop  }
0x3b: {  	_ = 	snop  }
0x3c: {  	p2 =	seq.s32 s10, $0x1;
	s10 =	sld [smem:$0x3FB8]  }
0x3d: {  	_ =	shalt  }
0x3e: {  	_ =	shalt  }
0x3f: {  	_ =	shalt  }
0x40: {  	_ =	shalt  }
0x41: {  	_ =	shalt  }
0x42: {  	_ =	shalt  }
0x43: {  	_ =	shalt  }
0x44: {  	_ =	shalt  }
0x45: {  	_ =	shalt  }
0x46: {  	_ =	shalt  }
0x47: {  	_ =	shalt  }
0x48: {  	_ =	shalt  }
0x49: {  	_ =	shalt  }
0x4a: {  	_ =	shalt  }
0x4b: {  	_ =	shalt  }
0x4c: {  	_ =	shalt  }
0x4d: {  	_ =	shalt  }
0x4e: {  	_ =	shalt  }
0x4f: {  	_ =	shalt  }
0x50: {  	_ =	shalt  }
0x51: {  	_ =	shalt  }
0x52: {  	_ =	shalt  }
0x53: {  	_ =	shalt  }
0x54: {  	_ =	shalt  }
0x55: {  	_ =	shalt  }
0x56: {  	_ =	shalt  }
0x57: {  	_ =	shalt  }
0x58: {  	_ =	shalt  }
0x59: {  	_ =	shalt  }
0x5a: {  	_ =	shalt  }
0x5b: {  	_ =	shalt  }
0x5c: {  	_ =	shalt  }
0x5d: {  	_ =	shalt  }
0x5e: {  	_ =	shalt  }
0x5f: {  	_ =	shalt  }
0x60: {  	_ =	shalt  }
0x61: {  	_ =	shalt  }
0x62: {  	_ =	shalt  }
0x63: {  	_ =	shalt  }
0x64: {  	_ =	shalt  }
0x65: {  	_ =	shalt  }
0x66: {  	_ =	shalt  }
0x67: {  	_ =	shalt  }
0x68: {  	_ =	shalt  }
0x69: {  	_ =	shalt  }
0x6a: {  	_ =	shalt  }
0x6b: {  	_ =	shalt  }
0x6c: {  	_ =	shalt  }
0x6d: {  	_ =	shalt  }
0x6e: {  	_ =	shalt  }
0x6f: {  	_ =	shalt  }
0x70: {  	_ =	shalt  }
0x71: {  	_ =	shalt  }
0x72: {  	_ =	shalt  }
0x73: {  	_ =	shalt  }
0x74: {  	_ =	shalt  }
0x75: {  	_ =	shalt  }
0x76: {  	_ =	shalt  }
0x77: {  	_ =	shalt  }
0x78: {  	_ =	shalt  }
0x79: {  	_ =	shalt  }
0x7a: {  	_ =	shalt  }
0x7b: {  	_ =	shalt  }
0x7c: {  	_ =	shalt  }
0x7d: {  	_ =	shalt  }
0x7e: {  	_ =	shalt  }
0x7f: {  	_ =	shalt  }
0x80: {  	_ =	shalt  }
0x81: {  	_ =	shalt  }
0x82: {  	_ =	shalt  }
0x83: {  	_ =	shalt  }
0x84: {  	_ =	shalt  }
0x85: {  	_ =	shalt  }
0x86: {  	_ =	shalt  }
0x87: {  	_ =	shalt  }
.Lfunc_end0:
.L_simem_size_0:
called_computation.2_lowered:
.L_overlay_start_0:
0x88: {  	s2 =	sld [smem:$0x3FD9]  }
0x89: {  	s3 =	sld [smem:$0x3FFE];
	_ =	sdelay $0x1  }
0x8a: {  	s1 =	srdreg.scid  }
0x8b: {  	s0 =	sand.u32 $0x1, s1  }
0x8c: {  	s14 =	sshll.u32 s0, $0xA;
	s2 =	sadd.s32 s3, s2  }
0x8d: {  	s2 =	sadd.s32 s2, s14  }
0x8e: {  	[smem:$0x3FC4] =	sst s2  }
0x8f: {  	_ = 	snop  }
0x90: {  	s2 =	sld [smem:$0x3FD0];
	_ =	sdelay $0x2  }
0x91: {  	s4 =	simm.s32 $0xB;
	s5 =	simm.s32 $0x10;
	s15 =	sld [smem:$0x3FC8]  }
0x92: {  	[smem:s5], [sflag:s4] =	dma.local [hbm:s2], $0x1  }
0x93: {  	_ =	swait.eq [sflag:s4], $0x1  }
0x94: {  	[sflag:s4] =	ssyncset.done $0x0  }
0x95: {  	[sflag:s4] =	ssyncadd.s32 $0xFFFFFFFF  }
0x96: {  	s16 =	sld [smem:$0x11];
	(tm) =	ssettm $0x1  }
0x97: {  	s17 =	sld [smem:$0x3FFB];
	_ =	sdelay $0x3  }
0x98: {  	_ =	strace s17  }
0x99: {  	s4 =	sld [smem:$0x3FFC];
	_ =	sdelay $0x3  }
0x9a: {  	_ =	strace s4  }
0x9b: {  	s4 =	sld [smem:$0x3FFD];
	_ =	sdelay $0x3  }
0x9c: {  	_ =	strace s4  }
0x9d: {  	_ =	strace $0x8FFFFFFF  }
0x9e: {  	s18 =	sld [smem:$0x3FDB];
	_ =	sdelay $0x1  }
0x9f: {  	s19 =	simm.s32 $_scs_section_size  }
0xa0: {  	s6 =	simm.s32 $_size__tile_overlayer_lowered;
	s7 =	simm.s32 $_tile_overlayer_lowered  }
0xa1: {  	s22 =	simm.s32 $0x1BFF;
	s21 =	sshll.u32 s7, $0x1;
	s4 =	sadd.s32 s19, s18  }
0xa2: {  	s8 =	simm.s32 $0x0;
	s20 =	sshll.u32 s6, $0x1;
	s6 =	sadd.s32 s21, s4  }
0xa3: {  	[timem:s8], [sflag:s22] =	dma.local [hbm:s6], s20  }
0xa4: {  	_ =	swait.ge [sflag:s22], s20  }
0xa5: {  	s5 =	ssub.s32 $0x0, s20;
	[sflag:s22] =	ssyncset.done $0x0  }
0xa6: {  	[sflag:s22] =	ssyncadd.s32 s5;
	_ =	sdelay $0x1  }
0xa7: {  	s23 =	simm.s32 $0x1B8B  }
0xa8: {  	_ =	swait.ge [sflag:s23], $0x1  }
0xa9: {  	[sflag:s23] =	ssyncset.done $0x0  }
0xaa: {  	s25 =	simm.s32 $0x1B8E;
	s24 =	sld [smem:$0x3FFE];
	[sflag:s23] =	ssyncadd.s32 $0xFFFFFFFF  }
0xab: {  	s26 =	simm.s32 $execute0_lowered;
	[smem:$0x3FD2] =	sst s25  }
0xac: {  	s6 =	sshll.u32 s26, $0x1;
	_ =	strace $0x80000046;
	[dreg:$0x1] =	wrdreg $0xFFFFFFFF  }
0xad: {  	s28 =	simm.s32 $_size_execute0_lowered;
	s4 =	sadd.s32 s4, s6;
	[dreg:$0x0] =	wrdreg $0x0  }
0xae: {  	s6 =	sshll.u32 s28, $0x1;
	[dreg:$0x2] =	wrdreg s4  }
0xaf: {  	[dreg:$0x3] =	wrdreg s6  }
0xb0: {  	[dreg:$0x4] =	wrdreg $0xC0  }
0xb1: {  	_ =	task [dreg:s8], $0x5FFFF  }
0xb2: {  	[dreg:$0x1] =	wrdreg $0xFFFFFFFF  }
0xb3: {  	[dreg:$0x0] =	wrdreg $0x60  }
0xb4: {  	[dreg:$0x2] =	wrdreg s15  }
0xb5: {  	[dreg:$0x3] =	wrdreg s24  }
0xb6: {  	[dreg:$0x4] =	wrdreg s16  }
0xb7: {  	[dreg:$0x5] =	wrdreg $0xA  }
0xb8: {  	_ =	task.clear_ibuf [dreg:s8], $0x6FFFF;
	_ =	strace $0x90000046  }
0xb9: {  	s29 =	simm.s32 $0xA;
	_ =	strace $0x80000048  }
0xba: {  	_ =	swait.ge [sflag:s29], $0x1  }
0xbb: {  	[sflag:s29] =	ssyncadd.s32 $0xFFFFFFFF  }
0xbc: {  	_ =	strace $0x90000048  }
0xbd: {  	_ =	sfence  }
0xbe: {  	s30 =	sld [smem:$0x0];
	_ =	sdelay $0x2  }
0xbf: {  	s31 =	sshll.u32 s1, $0xD;
	s1 =	sshrl.u32 s1, $0x2  }
0xc0: {  	s3 =	sand.u32 $0x4000, s31;
	s1 =	sadd.s32 s1, s30  }
0xc1: {  	s0 =	sor.u32 s3, s0;
	s1 =	sshll.u32 s1, $0x11  }
0xc2: {  	s0 =	sor.u32 s1, s0  }
0xc3: {  	s0 =	sadd.s32 $0x8F2B, s0  }
0xc4: {  	[sflag:s0] =	ssyncadd.remote.s32 $0x1  }
0xc5: {  	_ =	sfence.sel $0xFFFF  }
0xc6: {  	[dreg:$0x0] =	wrdreg $0xFFFFFFFF;
	(pc) =	sbr.abs _section_cstart, $3  }
0xc7: {  	[dreg:$0x1] =	wrdreg $0xFFFFFFFF  }
0xc8: {  	_ =	task.clear_ibuf [dreg:s8], $0x2FFFF;
	_ =	strace $0x9FFFFFFF  }
0xc9: {  	(tm) =	ssettm $0x7FFFFFFF  }
tec
execute0_lowered:
.L_overlay_start_1:
0x0: {  	(tag) =	ssettag $0x1  }
0x1: {  	s8 =	rddreg [dreg:$0x0]  }
0x2: {  	s3 =	rddreg [dreg:$0x1]  }
0x3: {  	s6 =	rddreg [dreg:$0x2]  }
0x4: {  	s0 =	rddreg [dreg:$0x3]  }
0x5: {  	s4 =	srdreg.scid;
	s1 =	stileid.u32;
	s2 =	simm.s32 $0x0  }
0x6: {  	s5 =	sand.u32 $0x1, s4;
	s29 =	sshll.u32 s1, $0x1;
	s9 =	smul.u32 $0x61A80, s1  }
0x7: {  	[smem:$0x7FF] =	sst s2;
	s3 =	sadd.s32 $0xF43200, s3;
	s12 =	smul.u32 $0x186A0, s1  }
0x8: {  	s4 =	sor.u32 s5, s29;
	s7 =	ssub.s32 $0x2, s5;
	s30 =	smul.u32 $0xC350, s5  }
0x9: {  	_ =	strace $0x80000047;
	s4 =	smul.u32 $0xC350, s4;
	s10 =	sshrl.u32 s7, $0x1  }
0xa: {  	s13 =	smul.u32 $0x30D40, s5;
	s9 =	sadd.s32 s9, s6;
	s7 =	ssub.s32 s7, s10  }
0xb: {  	s10 =	sadd.s32 s30, s12;
	s12 =	simm.s32 $0x7D0;
	s11 =	sadd.s32 $0xBB80, s4  }
0xc: {  	s31 =	sshrl.u32 s10, $0x3;
	s4 =	sshrl.u32 s11, $0x3;
	s11 =	sshll.u32 s11, $0x2  }
0xd: {  	s10 =	simm.s32 $0xBB8;
	s4 =	sadd.s32 s8, s4;
	s5 =	sadd.s32 s6, s11  }
0xe: {  	s6 =	smax.u32 s7, $0x1;
	s7 =	sadd.s32 s13, s9;
	s8 =	sadd.s32 s31, s8  }
0xf: {  	s9 =	simm.s32 $0x2;
	s11 =	simm.s32 $0x1;
	s13 =	simm.s32 $0x0  }
.LBB2_1:
0x10: {  	s14 =	sadd.s32 $0x0, s8  }
0x11: {  	[tilespmem:s2], [sflag:$0x2] =	stream.linear.gather [hbm4b:s14+s2], $0xBB8, $0x38;
	[tilespmem:$0x182B8] =	vst v63  }
0x12: {  	_ =	swait.ge [sflag:s9], $0xBB8  }
0x13: {  	[sflag:s9] =	ssyncset.done $0x0  }
0x14: {  	[sflag:s9] =	ssyncadd.s32 $0xFFFFF448  }
0x15: {  	[tilespmem:s10], [sflag:$0x1] =	stream.indirect.gather [hbm4b:s3+s10], $0x20, s2, s10, $0xb8;
	[tilespmem:$0x182B8] =	vst v63  }
0x16: {  	_ =	swait.ge [sflag:s11], $0x17700  }
0x17: {  	[sflag:s11] =	ssyncset.done $0x0  }
0x18: {  	[sflag:s11] =	ssyncadd.s32 $0xFFFE8900  }
0x19: {  	[hbm4b:s7+s2] =	stream.linear.scatter [tilespmem:s10], [sflag:$0x2], $0x17700, $0x38;
	[tilespmem:$0x182B8] =	vst v63  }
0x1a: {  	s15 =	simm.s32 $0x177;
	_ =	swait.ge [sflag:s9], $0x17700  }
0x1b: {  	s16 =	simm.s32 $0x2EE;
	s14 =	sadd.s32 $0x2EE0, s7;
	[sflag:s9] =	ssyncset.done $0x0  }
.LBB2_2:
0x1c: {  	s17 =	sadd.s32 s15, s8  }
0x1d: {  	[sflag:s9] =	ssyncadd.s32 $0xFFFE8900;
	s15 =	smov.u32 s16;
	s18 =	sadd.s32 $0x177, s16  }
0x1e: {  	[tilespmem:s2], [sflag:$0x2] =	stream.linear.gather [hbm4b:s17+s2], $0xBB8, $0x38;
	[tilespmem:$0x182B8] =	vst v63  }
0x1f: {  	p0 =	sne.s32 s16, $0x15F9;
	_ =	swait.ge [sflag:s9], $0xBB8  }
0x20: {  	[sflag:s9] =	ssyncset.done $0x0  }
0x21: {  	[sflag:s9] =	ssyncadd.s32 $0xFFFFF448  }
0x22: {  	[tilespmem:s10], [sflag:$0x1] =	stream.indirect.gather [hbm4b:s3+s10], $0x20, s2, s10, $0xb8;
	[tilespmem:$0x182B8] =	vst v63  }
0x23: {  	_ =	swait.ge [sflag:s11], $0x17700  }
.Ltmp0:
0x24: {  	[sflag:s11] =	ssyncset.done $0x0;
	(pc) =	sbr.rel @p0 .LBB2_2-.Ltmp0, $4  }
0x25: {  	[sflag:s11] =	ssyncadd.s32 $0xFFFE8900  }
0x26: {  	[hbm4b:s14+s2] =	stream.linear.scatter [tilespmem:s10], [sflag:$0x2], $0x17700, $0x38;
	[tilespmem:$0x182B8] =	vst v63  }
0x27: {  	_ =	swait.ge [sflag:s9], $0x17700  }
0x28: {  	s16 =	smov.u32 s18;
	s14 =	sadd.s32 $0x2EE0, s14;
	[sflag:s9] =	ssyncset.done $0x0  }
0x29: {  	s15 =	sadd.s32 s15, s8;
	[sflag:s9] =	ssyncadd.s32 $0xFFFE8900  }
0x2a: {  	[tilespmem:s2], [sflag:$0x2] =	stream.linear.gather [hbm4b:s15+s2], $0xBB8, $0x38;
	[tilespmem:$0x182B8] =	vst v63  }
0x2b: {  	_ =	swait.ge [sflag:s9], $0xBB8  }
0x2c: {  	[sflag:s9] =	ssyncset.done $0x0  }
0x2d: {  	[sflag:s9] =	ssyncadd.s32 $0xFFFFF448  }
0x2e: {  	[tilespmem:s10], [sflag:$0x1] =	stream.indirect.gather [hbm4b:s3+s10], $0x20, s2, s10, $0xb8;
	[tilespmem:$0x182B8] =	vst v63  }
0x2f: {  	_ =	swait.ge [sflag:s11], $0x17700  }
0x30: {  	[sflag:s11] =	ssyncset.done $0x0  }
0x31: {  	[sflag:s11] =	ssyncadd.s32 $0xFFFE8900  }
0x32: {  	[hbm4b:s14+s2] =	stream.linear.scatter [tilespmem:s10], [sflag:$0x2], $0x17700, $0x38;
	[tilespmem:$0x182B8] =	vst v63  }
0x33: {  	_ =	swait.ge [sflag:s9], $0x17700  }
0x34: {  	[sflag:s9] =	ssyncset.done $0x0  }
0x35: {  	[sflag:s9] =	ssyncadd.s32 $0xFFFE8900  }
0x36: {  	[tilespmem:s2], [sflag:$0x2] =	stream.linear.gather [hbm4b:s4+s2], $0x7D0, $0x38;
	[tilespmem:$0x182B8] =	vst v63  }
0x37: {  	_ =	swait.ge [sflag:s9], $0x7D0  }
0x38: {  	[sflag:s9] =	ssyncset.done $0x0  }
0x39: {  	[sflag:s9] =	ssyncadd.s32 $0xFFFFF830  }
0x3a: {  	[tilespmem:s10], [sflag:$0x1] =	stream.indirect.gather [hbm4b:s3+s12], $0x20, s2, s12, $0xb8;
	[tilespmem:$0x182B8] =	vst v63  }
0x3b: {  	s13 =	sadd.s32 $0x1, s13;
	_ =	swait.ge [sflag:s11], $0xFA00  }
0x3c: {  	p0 =	sne.s32 s13, s6;
	[sflag:s11] =	ssyncset.done $0x0  }
.Ltmp1:
0x3d: {  	[sflag:s11] =	ssyncadd.s32 $0xFFFF0600;
	(pc) =	sbr.rel @p0 .LBB2_1-.Ltmp1, $4  }
0x3e: {  	[hbm4b:s5+s2] =	stream.linear.scatter [tilespmem:s10], [sflag:$0x2], $0xFA00, $0x38;
	[tilespmem:$0x182B8] =	vst v63  }
0x3f: {  	_ =	swait.ge [sflag:s9], $0xFA00  }
0x40: {  	[sflag:s9] =	ssyncset.done $0x0  }
0x41: {  	[sflag:s9] =	ssyncadd.s32 $0xFFFF0600  }
0x42: {  	_ =	sfence.sel $0x180000  }
0x43: {  	[bflag:$0x0] =	sbarrier.arrive $0xFFFF  }
0x44: {  	p0 =	sne.s32 s1, $0x0;
	_ =	strace $0x90000047  }
0x45: {  	s0 =	sadd.s32 @!p0 $0x100000, s0;
	[bflag:$0x2] =	sbarrier.arrive $0xFFFF  }
0x46: {  	[sflag:s0] =	ssyncadd.tile.s32 @!p0 $0x1;
	_ =	shalt  }
.Lfunc_end2:
_tile_overlayer_lowered:
.L_overlay_start_2:
0x47: {  	(tag) =	ssettag $0x2  }
0x48: {  	s0 =	rddreg [dreg:$0x0];
	s2 =	stileid.u32  }
0x49: {  	s1 =	rddreg [dreg:$0x1];
	p0 =	sne.s32 s2, $0x0  }
0x4a: {  	s3 =	rddreg [dreg:$0x2];
	[bflag:$0x3] =	sbarrier.arrive $0xFFFF;
	s2 =	simm.s32 @!p0 $0x1C02  }
0x4b: {  	[timem:s3], [sflag:s2] =	dma.local @!p0 [hbm:s0], s1  }
0x4c: {  	s0 =	simm.s32 @!p0 $0x2  }
0x4d: {  	_ =	swait.ge @!p0 [sflag:s0], s1  }
0x4e: {  	s1 =	ssub.s32 @!p0 $0x0, s1;
	[sflag:s0] =	ssyncset.done @!p0 $0x0  }
0x4f: {  	[sflag:s0] =	ssyncadd.s32 @!p0 s1  }
0x50: {  	[bflag:$0x3] =	sbarrier.arrive $0xFFFF  }
0x51: {  	_ =	shalt  }

// kernel: sparse-core-data-format-call.cloned.1.call-start
scs
called_computation_lowered:
.L_overlay_start_0:
0x0: {  	s2 =	sld [smem:$0x3FD9]  }
0x1: {  	s3 =	sld [smem:$0x3FFE];
	_ =	sdelay $0x1  }
0x2: {  	s1 =	srdreg.scid  }
0x3: {  	s0 =	sand.u32 $0x1, s1  }
0x4: {  	s16 =	sshll.u32 s0, $0xA;
	s2 =	sadd.s32 s3, s2  }
0x5: {  	s2 =	sadd.s32 s2, s16  }
0x6: {  	[smem:$0x3FC4] =	sst s2  }
0x7: {  	_ = 	snop  }
0x8: {  	s2 =	sld [smem:$0x3FD0];
	_ =	sdelay $0x2  }
0x9: {  	s17 =	simm.s32 $0xB;
	s4 =	simm.s32 $0x10  }
0xa: {  	[smem:s4], [sflag:s17] =	dma.local [hbm:s2], $0x1  }
0xb: {  	_ =	swait.eq [sflag:s17], $0x1  }
0xc: {  	[sflag:s17] =	ssyncset.done $0x0  }
0xd: {  	[sflag:s17] =	ssyncadd.s32 $0xFFFFFFFF  }
0xe: {  	s18 =	sld [smem:$0x11];
	(tm) =	ssettm $0x1  }
0xf: {  	s19 =	sld [smem:$0x3FFB];
	_ =	sdelay $0x3  }
0x10: {  	_ =	strace s19  }
0x11: {  	s2 =	sld [smem:$0x3FFC];
	_ =	sdelay $0x3  }
0x12: {  	_ =	strace s2  }
0x13: {  	s2 =	sld [smem:$0x3FFD];
	_ =	sdelay $0x3  }
0x14: {  	_ =	strace s2  }
0x15: {  	_ =	strace $0x8FFFFFFF  }
0x16: {  	s20 =	sld [smem:$0x3FDB];
	_ =	sdelay $0x1  }
0x17: {  	s21 =	simm.s32 $_scs_section_size  }
0x18: {  	s5 =	simm.s32 $_size__tile_overlayer_lowered;
	s6 =	simm.s32 $_tile_overlayer_lowered  }
0x19: {  	s7 =	simm.s32 $0x1BFF;
	s22 =	sshll.u32 s6, $0x1;
	s4 =	sadd.s32 s21, s20  }
0x1a: {  	s23 =	simm.s32 $0x0;
	s5 =	sshll.u32 s5, $0x1;
	s6 =	sadd.s32 s22, s4  }
0x1b: {  	[timem:s23], [sflag:s7] =	dma.local [hbm:s6], s5  }
0x1c: {  	_ =	swait.ge [sflag:s7], s5  }
0x1d: {  	s5 =	ssub.s32 $0x0, s5;
	[sflag:s7] =	ssyncset.done $0x0  }
0x1e: {  	[sflag:s7] =	ssyncadd.s32 s5;
	_ =	sdelay $0x1  }
0x1f: {  	s24 =	simm.s32 $0x1B8B  }
0x20: {  	_ =	swait.ge [sflag:s24], $0x1  }
0x21: {  	[sflag:s24] =	ssyncset.done $0x0  }
0x22: {  	[sflag:s24] =	ssyncadd.s32 $0xFFFFFFFF  }
0x23: {  	s5 =	sld [smem:$0x0]  }
0x24: {  	s6 =	sand.u32 $0xFFFFFFFE, s1  }
0x25: {  	p0 =	sne.s32 s1, s6  }
0x26: {  	s6 =	sshll.u32 @p0 s6, $0xE  }
0x27: {  	s6 =	sadd.s32 @p0 $0x11B8D, s6;
	s7 =	sshll.u32 @p0 s5, $0x11  }
0x28: {  	s6 =	sor.u32 @p0 s7, s6  }
0x29: {  	[sflag:s6] =	ssyncadd.remote.s32 @p0 $0x1;
	_ =	sdelay $0x1  }
0x2a: {  	s6 =	simm.s32 @p0 $0x1B8D  }
0x2b: {  	_ =	swait.eq @p0 [sflag:s6], $0x1  }
0x2c: {  	[sflag:s6] =	ssyncadd.s32 @p0 $0xFFFFFFFF  }
0x2d: {  	s7 =	sshll.u32 @!p0 s1, $0xE  }
0x2e: {  	s7 =	sor.u32 @!p0 $0x4000, s7;
	s6 =	simm.s32 @!p0 $0x1B8D  }
0x2f: {  	s5 =	sshll.u32 @!p0 s5, $0x11;
	s7 =	sadd.s32 @!p0 $0x11B8D, s7;
	_ =	swait.eq @!p0 [sflag:s6], $0x1  }
0x30: {  	s5 =	sor.u32 @!p0 s5, s7;
	[sflag:s6] =	ssyncadd.s32 @!p0 $0xFFFFFFFF  }
0x31: {  	s26 =	simm.s32 $0x1B8E;
	s25 =	sld [smem:$0x3FFE];
	[sflag:s5] =	ssyncadd.remote.s32 @!p0 $0x1  }
0x32: {  	s27 =	simm.s32 $execute0_lowered;
	[smem:$0x3FD2] =	sst s26  }
0x33: {  	s6 =	sshll.u32 s27, $0x1;
	_ =	strace $0x8000004C;
	[dreg:$0x1] =	wrdreg $0xFFFFFFFF  }
0x34: {  	s28 =	simm.s32 $_size_execute0_lowered;
	s4 =	sadd.s32 s4, s6;
	[dreg:$0x0] =	wrdreg $0x0  }
0x35: {  	s6 =	sshll.u32 s28, $0x1;
	[dreg:$0x2] =	wrdreg s4  }
0x36: {  	[dreg:$0x3] =	wrdreg s6  }
0x37: {  	[dreg:$0x4] =	wrdreg $0xC0  }
0x38: {  	_ =	task [dreg:s23], $0x5FFFF  }
0x39: {  	[dreg:$0x1] =	wrdreg $0xFFFFFFFF  }
0x3a: {  	[dreg:$0x0] =	wrdreg $0x60  }
0x3b: {  	[dreg:$0x2] =	wrdreg s25  }
0x3c: {  	[dreg:$0x3] =	wrdreg s18  }
0x3d: {  	[dreg:$0x4] =	wrdreg $0xA  }
0x3e: {  	_ =	task.clear_ibuf [dreg:s23], $0x5FFFF;
	_ =	strace $0x9000004C  }
0x3f: {  	s29 =	simm.s32 $0xA;
	_ =	strace $0x8000004E  }
0x40: {  	_ =	swait.ge [sflag:s29], $0x1  }
0x41: {  	[sflag:s29] =	ssyncadd.s32 $0xFFFFFFFF  }
0x42: {  	_ =	strace $0x9000004E  }
0x43: {  	_ =	sfence  }
0x44: {  	s30 =	sld [smem:$0x0];
	_ =	sdelay $0x2  }
0x45: {  	s31 =	sshll.u32 s1, $0xD;
	s1 =	sshrl.u32 s1, $0x2  }
0x46: {  	s4 =	sand.u32 $0x4000, s31;
	s1 =	sadd.s32 s1, s30  }
0x47: {  	s0 =	sor.u32 s4, s0;
	s1 =	sshll.u32 s1, $0x11  }
0x48: {  	s0 =	sor.u32 s1, s0  }
0x49: {  	s0 =	sadd.s32 $0x8F2B, s0  }
0x4a: {  	[sflag:s0] =	ssyncadd.remote.s32 $0x1  }
0x4b: {  	_ =	sfence.sel $0xFFFF  }
0x4c: {  	[dreg:$0x0] =	wrdreg $0xFFFFFFFF;
	(pc) =	sbr.abs _section_cstart, $3  }
0x4d: {  	[dreg:$0x1] =	wrdreg $0xFFFFFFFF  }
0x4e: {  	_ =	task.clear_ibuf [dreg:s23], $0x2FFFF;
	_ =	strace $0x9FFFFFFF  }
0x4f: {  	(tm) =	ssettm $0x7FFFFFFF  }
tec
execute0_lowered:
.L_overlay_start_1:
0x0: {  	(tag) =	ssettag $0x1  }
0x1: {  	s0 =	srdreg.scid  }
0x2: {  	s1 =	sshll.u32 s0, $0x4  }
0x3: {  	s4 =	rddreg [dreg:$0x0];
	s0 =	stileid.u32;
	s1 =	sand.u32 $0x10, s1  }
0x4: {  	s2 =	rddreg [dreg:$0x1];
	s7 =	simm.s32 $0x1;
	s1 =	sor.u32 s0, s1  }
0x5: {  	s8 =	simm.s32 $0x2;
	s11 =	simm.s32 $0x0;
	s3 =	sshll.u32 s1, $0x7  }
0x6: {  	s10 =	simm.s32 $0x0;
	s4 =	sadd.s32 $0x16E4600, s4;
	s6 =	ssub.s32 $0x186A00, s3  }
.Ltmp0:
0x7: {  	s1 =	rddreg [dreg:$0x2];
	s5 =	sand.u32 $0xF80, s6;
	(pc) =	sbr.rel .LBB1_1-.Ltmp0, $4  }
0x8: {  	_ =	strace $0x8000004D;
	s9 =	smov.u32 s3;
	p0 =	sne.s32 s5, $0x0  }
0x9: {  	s6 =	sshrl.u32 s6, $0xC;
	s5 =	simm.s32 $0x1;
	s7 =	simm.s32 @!p0 $0x0  }
0xa: {  	[sflag:s5] =	ssyncpa.u1 $0x0;
	p0 =	por $0x0, $0x0;
	s6 =	sadd.s32 s7, s6  }
0xb: {  	[sflag:s8] =	ssyncpa.u1 $0x0;
	s8 =	simm.s32 $0xC35000;
	s7 =	sadd.s32 $0x1, s6  }
.LBB1_4:
0xc: {  	s14 =	sshll.u32 s11, $0x3  }
0xd: {  	s14 =	sand.u32 $0xFFFFFC00, s14  }
0xe: {  	s15 =	sshrl.u32 s14, $0x9  }
0xf: {  	s15 =	smulhi.u32 $0xA7C5AD, s15;
	_ =	sdelay $0x1  }
0x10: {  	s15 =	sshrl.u32 s15, $0x3  }
0x11: {  	s28 =	sand.u32 $0x7F, s11;
	s16 =	smul.u32 $0x186A00, s15  }
0x12: {  	s11 =	sor.u32 s28, s14  }
0x13: {  	s29 =	sand.u32 $0x1F, s15;
	s11 =	ssub.s32 s11, s16  }
0x14: {  	s14 =	smul.u32 $0x30D40, s29;
	s30 =	sshrl.u32 s11, $0x3;
	s11 =	sand.u32 $0x7, s11  }
0x15: {  	s15 =	sadd.s32 s2, s30;
	s11 =	sshll.u32 s11, $0x12  }
0x16: {  	[tilespmem:s13+$0x0 ss:$0x81] =	vst.msk $0xffff, v0;
	s31 =	sadd.s32 s14, s15;
	s11 =	sor.u32 $0x400, s11  }
0x17: {  	[hbm4b:s31+s11] =	stream.strided.scatter [tilespmem:s12], [sflag:$0x2], $0x1000, s8, s11, $0x20;
	[tilespmem:$0x4040] =	vst v63  }
.LBB1_5:
0x18: {  	s13 =	sadd.s32 $0x1000, s9  }
0x19: {  	p2 =	sgt.s32 s13, $0x1869FF  }
0x1a: {  	s13 =	smov.u32 @p2 s3;
	p2 =	sne.s32 s10, s7  }
.Ltmp1:
0x1b: {  	p1 =	slt.u32 s10, $0x2;
	(pc) =	sbr.rel @!p2 .LBB1_6-.Ltmp1, $4  }
0x1c: {  	s12 =	simm.s32 @!p1 $0x2  }
0x1d: {  	s14 =	sadd.s32 $0x1, s10;
	_ =	swait.ge @!p1 [sflag:s12], $0x1000  }
0x1e: {  	s11 =	smov.u32 s9;
	p0 =	por !p0, !p0;
	[sflag:s12] =	ssyncset.done @!p1 $0x0  }
0x1f: {  	s10 =	smov.u32 s14;
	s9 =	smov.u32 s13;
	[sflag:s12] =	ssyncadd.s32 @!p1 $0xFFFFF000  }
.LBB1_1:
0x20: {  	p1 =	sge.u32 s10, s6  }
0x21: {  	s12 =	sand.u32 @!p1 $0x1FFFFFF, s9  }
0x22: {  	s13 =	smulhi.u32 @!p1 $0x14F8B59, s12;
	_ =	sdelay $0x1  }
0x23: {  	s13 =	sshrl.u32 @!p1 s13, $0xD  }
0x24: {  	s13 =	smul.u32 @!p1 $0x186A00, s13;
	_ =	sdelay $0x1  }
0x25: {  	s31 =	sadd.s32 $0xFFFFFFFF, s10;
	s14 =	sxor.u32 @!p1 $0xFFFFFFFF, s10;
	s12 =	ssub.s32 @!p1 s12, s13  }
0x26: {  	s15 =	simm.s32 @!p1 $0x80;
	s14 =	sshll.u32 @!p1 s14, $0xC;
	s12 =	sshll.u32 @!p1 s12, $0x4  }
0x27: {  	s13 =	sand.u32 @!p1 $0x1000, s14;
	s14 =	simm.s32 @!p1 $0x20;
	s12 =	sadd.s32 @!p1 s4, s12  }
0x28: {  	[tilespmem:s13], [sflag:$0x1] =	stream.strided.gather @!p1 [hbm4b:s12+s14], $0x1000, s15, s14, $0x38;
	[tilespmem:$0x4040] =	vst v63  }
0x29: {  	p1 =	sge.u32 s31, s6  }
.Ltmp2:
0x2a: {  	_ = 	snop;
	(pc) =	sbr.rel @p1 .LBB1_5-.Ltmp2, $1  }
0x2b: {  	_ =	sdelay $0x3  }
0x2c: {  	s12 =	simm.s32 $0x1  }
0x2d: {  	_ =	swait.ge [sflag:s5], $0x1000;
	s12 =	simm.s32 @!p0 $0x0  }
0x2e: {  	[sflag:s5] =	ssyncset.done $0x0;
	s13 =	sshll.u32 s12, $0xC  }
0x2f: {  	[sflag:s5] =	ssyncadd.s32 $0xFFFFF000;
	s16 =	sor.u32 $0x10, s13  }
0x30: {  	s12 =	smul.u32 $0x4080, s12;
	v1 =	vld [tilespmem:s16+$0x0]  }
0x31: {  	s30 =	sand.u32 $0x1, s10;
	v0 =	vld [tilespmem:s16+$0xFFFFFFF0]  }
0x32: {  	s13 =	smul.u32 $0x4080, s30;
	s12 =	sshrl.u32 s12, $0x2  }
0x33: {  	s14 =	sor.u32 $0x2000, s12  }
0x34: {  	s31 =	sshrl.u32 s13, $0x2;
	s13 =	sadd.s32 $0x0, s14  }
0x35: {  	s15 =	simm.s32 $0x4;
	s16 =	sadd.s32 $0x20, s16;
	s12 =	sor.u32 $0x2000, s31;
	[tilespmem:s13+$0x810 ss:$0x81] =	vst.msk $0xffff, v1  }
.LBB1_3:
0x36: {  	v1 =	vld [tilespmem:s16+$0x0];
	p1 =	sne.s32 s15, $0x1FC;
	[tilespmem:s13+$0x0 ss:$0x81] =	vst.msk $0xffff, v0;
	s13 =	smov.u32 s15;
	s15 =	sadd.s32 $0x4, s15  }
.Ltmp3:
0x37: {  	v0 =	vld [tilespmem:s16+$0xFFFFFFF0];
	(pc) =	sbr.rel @p1 .LBB1_3-.Ltmp3, $4  }
0x38: {  	_ = 	snop  }
0x39: {  	s13 =	sshra.s32 s13, $0x2  }
0x3a: {  	s13 =	sadd.s32 s13, s14  }
0x3b: {  	s16 =	sadd.s32 $0x20, s16;
	[tilespmem:s13+$0x810 ss:$0x81] =	vst.msk $0xffff, v1  }
.Ltmp4:
0x3c: {  	_ = 	snop;
	(pc) =	sbr.rel .LBB1_4-.Ltmp4, $1  }
0x3d: {  	_ =	sdelay $0x3  }
.LBB1_6:
0x3e: {  	_ =	sfence.sel $0x180000  }
0x3f: {  	s2 =	simm.s32 $0x1;
	[bflag:$0x0] =	sbarrier.arrive $0xFFFF  }
0x40: {  	s31 =	simm.s32 $0x2;
	[sflag:s2] =	ssyncpa.u1 $0x1  }
0x41: {  	[sflag:s31] =	ssyncpa.u1 $0x1  }
0x42: {  	p0 =	sne.s32 s0, $0x0;
	_ =	strace $0x9000004D  }
0x43: {  	s0 =	sadd.s32 @!p0 $0x100000, s1;
	[bflag:$0x2] =	sbarrier.arrive $0xFFFF  }
0x44: {  	[sflag:s0] =	ssyncadd.tile.s32 @!p0 $0x1;
	_ =	shalt  }
.Lfunc_end1:
_tile_overlayer_lowered:
.L_overlay_start_2:
0x45: {  	(tag) =	ssettag $0x2  }
0x46: {  	s0 =	rddreg [dreg:$0x0];
	s2 =	stileid.u32  }
0x47: {  	s1 =	rddreg [dreg:$0x1];
	p0 =	sne.s32 s2, $0x0  }
0x48: {  	s3 =	rddreg [dreg:$0x2];
	[bflag:$0x3] =	sbarrier.arrive $0xFFFF;
	s2 =	simm.s32 @!p0 $0x1C01  }
0x49: {  	[timem:s3], [sflag:s2] =	dma.local @!p0 [hbm:s0], s1  }
0x4a: {  	s0 =	simm.s32 @!p0 $0x1  }
0x4b: {  	_ =	swait.ge @!p0 [sflag:s0], s1  }
0x4c: {  	s1 =	ssub.s32 @!p0 $0x0, s1;
	[sflag:s0] =	ssyncset.done @!p0 $0x0  }
0x4d: {  	[sflag:s0] =	ssyncadd.s32 @!p0 s1  }
0x4e: {  	[bflag:$0x3] =	sbarrier.arrive $0xFFFF  }
0x4f: {  	_ =	shalt  }

</sc_bundles>
